<compile_context>
chip_gen: v7x
topology: tpu7x:2x2x1
jax: 0.10.2.dev20260603
libtpu: 0.0.44.dev20260713+nightly
codegen_flags: <defaults>
</compile_context>

<pallas_src>
import functools

import jax
import jax.numpy as jnp
from jax import lax
from jax.experimental import pallas as pl
from jax.experimental.pallas import tpu as pltpu
from jax.experimental.pallas import tpu_sc as plsc

H = 1024
NH = 16
NKV = 4
HD = 64
E = 8
TOPK = 2
I_FF = 512
T = 2048
EPS = 1e-6
THETA = 10000.0
SCALE = HD ** -0.5

BT = 256
BQ = 256
MBT = 256
NPAIR = TOPK * T
P = NPAIR + E * MBT
NB = P // MBT
HALF = HD // 2


def _qkv_body(x_ref, w_ref, wqkv_ref, out_ref):
    x = x_ref[...]
    var = jnp.mean(x * x, axis=1, keepdims=True)
    xn = x * lax.rsqrt(var + EPS) * w_ref[...]
    out_ref[...] = jnp.dot(xn, wqkv_ref[...], preferred_element_type=jnp.float32)


def _attn_body(q_ref, k_ref, v_ref, cq_ref, sq_ref, ck_ref, sk_ref, o_ref):
    q2h = q_ref[...]
    cq = cq_ref[...]
    sq = sq_ref[...]
    h2 = pl.program_id(0)
    parity = (h2 // 2) % 2
    k128 = k_ref[...]
    v128 = v_ref[...]
    k = jnp.where(parity == 0, k128[:, :HD], k128[:, HD:])
    v = jnp.where(parity == 0, v128[:, :HD], v128[:, HD:])
    ck = ck_ref[...]
    sk = sk_ref[...]
    k1 = k[:, :HALF]
    k2 = k[:, HALF:]
    kr = jnp.concatenate([k1 * ck - k2 * sk, k2 * ck + k1 * sk], axis=1)
    qb = pl.program_id(1)
    row = qb * BQ + lax.broadcasted_iota(jnp.int32, (BQ, T), 0)
    col = lax.broadcasted_iota(jnp.int32, (BQ, T), 1)
    neg = jnp.float32(-1e9)

    def one_head(q):
        q1 = q[:, :HALF]
        q2 = q[:, HALF:]
        qr = jnp.concatenate([q1 * cq - q2 * sq, q2 * cq + q1 * sq], axis=1)
        sc = lax.dot_general(qr, kr, (((1,), (1,)), ((), ())),
                             preferred_element_type=jnp.float32) * SCALE
        sc = jnp.where(col <= row, sc, neg)
        m = jnp.max(sc, axis=1, keepdims=True)
        p = jnp.exp(sc - m)
        p = p / jnp.sum(p, axis=1, keepdims=True)
        return jnp.dot(p, v, preferred_element_type=jnp.float32)

    oa = one_head(q2h[:, :HD])
    ob = one_head(q2h[:, HD:])
    o_ref[...] = jnp.concatenate([oa, ob], axis=1)


def _post_body(ctx_ref, wd_ref, h_ref, ln2_ref, wg_ref, wsgu_ref, wsdn_ref,
               res_ref, x2_ref, ti_ref, tw_ref, sh_ref):
    attn = jnp.dot(ctx_ref[...], wd_ref[...], preferred_element_type=jnp.float32)
    res = attn + h_ref[...]
    res_ref[...] = res
    var = jnp.mean(res * res, axis=1, keepdims=True)
    x2 = res * lax.rsqrt(var + EPS) * ln2_ref[...]
    x2_ref[...] = x2

    logits = jnp.dot(x2, wg_ref[...], preferred_element_type=jnp.float32)
    col = lax.broadcasted_iota(jnp.int32, (BT, 128), 1)
    lm = jnp.where(col < E, logits, -1e30)
    m = jnp.max(lm, axis=1, keepdims=True)
    p = jnp.exp(lm - m)
    p = p / jnp.sum(p, axis=1, keepdims=True)
    v1 = jnp.max(p, axis=1, keepdims=True)
    idx1 = jnp.min(jnp.where(p == v1, col, 10000), axis=1, keepdims=True)
    p2 = jnp.where(col == idx1, -1.0, p)
    v2 = jnp.max(p2, axis=1, keepdims=True)
    idx2 = jnp.min(jnp.where(p2 == v2, col, 10000), axis=1, keepdims=True)
    denom = v1 + v2
    w1 = v1 / denom
    w2 = v2 / denom
    ti_ref[...] = jnp.where(col == 0, idx1, jnp.where(col == 1, idx2, 0)).astype(jnp.int32)
    tw_ref[...] = jnp.where(col == 0, w1, jnp.where(col == 1, w2, 0.0))

    gu = jnp.dot(x2.astype(jnp.bfloat16), wsgu_ref[...].astype(jnp.bfloat16),
                 preferred_element_type=jnp.float32)
    g = gu[:, :I_FF]
    u = gu[:, I_FF:]
    hsh = g * (1.0 / (1.0 + jnp.exp(-g))) * u
    sh_ref[...] = jnp.dot(hsh.astype(jnp.bfloat16),
                          wsdn_ref[...].astype(jnp.bfloat16),
                          preferred_element_type=jnp.float32)


MCH = 256


def _meta_body(e_ref, ps_ref, cnt_ref, r_scr):
    f32 = jnp.float32
    tri = (lax.broadcasted_iota(jnp.int32, (MCH, MCH), 0)
           >= lax.broadcasted_iota(jnp.int32, (MCH, MCH), 1)).astype(f32)
    lane = lax.broadcasted_iota(jnp.int32, (MCH, 128), 1)
    off = jnp.zeros((1, 128), f32)
    for c in range(NPAIR // MCH):
        e_c = e_ref[pl.ds(c * MCH, MCH), :]
        oh = (e_c == lane).astype(f32)
        cum = jnp.dot(tri, oh, preferred_element_type=f32) + off
        r_scr[pl.ds(c * MCH, MCH), :] = cum
        off = off + jnp.sum(oh, axis=0, keepdims=True)
    cnt_ref[...] = off
    padded = jnp.floor((off + (MBT - 1)) * (1.0 / MBT)).astype(jnp.int32).astype(f32) * MBT
    triL = (lax.broadcasted_iota(jnp.int32, (128, 128), 0)
            <= lax.broadcasted_iota(jnp.int32, (128, 128), 1)).astype(f32)
    pend = jnp.dot(padded, triL, preferred_element_type=f32)
    poff = pend - padded
    for c in range(NPAIR // MCH):
        e_c = e_ref[pl.ds(c * MCH, MCH), :]
        oh = (e_c == lane).astype(f32)
        cum = r_scr[pl.ds(c * MCH, MCH), :]
        vals = oh * (cum - 1.0 + poff)
        ps_ref[pl.ds(c * MCH, MCH), :] = jnp.sum(
            vals, axis=1, keepdims=True).astype(jnp.int32)


def _moe_body(be_ref, xs_ref, wgu_ref, wdn_ref, y_ref):
    del be_ref
    gu = jnp.dot(xs_ref[...].astype(jnp.bfloat16),
                 wgu_ref[0].astype(jnp.bfloat16),
                 preferred_element_type=jnp.float32)
    g = gu[:, :I_FF]
    u = gu[:, I_FF:]
    h = g * (1.0 / (1.0 + jnp.exp(-g))) * u
    y_ref[...] = jnp.dot(h.astype(jnp.bfloat16), wdn_ref[0].astype(jnp.bfloat16),
                         preferred_element_type=jnp.float32)


_NW = 32
_TOKW = T // _NW
_CHT = 32


def _sc_combine(y_hbm, sh_hbm, p1_hbm, p2_hbm, w1_hbm, w2_hbm, out_hbm,
                i1_v, i2_v, w1_v, w2_v, y1_v, y2_v, sh_v, sem):
    wid = lax.axis_index("s") * 2 + lax.axis_index("c")
    base = wid * _TOKW

    def chunk(ci, carry):
        off = base + ci * _CHT
        pltpu.sync_copy(p1_hbm.at[pl.ds(off, _CHT)], i1_v)
        pltpu.sync_copy(p2_hbm.at[pl.ds(off, _CHT)], i2_v)
        pltpu.sync_copy(w1_hbm.at[pl.ds(off, _CHT)], w1_v)
        pltpu.sync_copy(w2_hbm.at[pl.ds(off, _CHT)], w2_v)
        pltpu.sync_copy(sh_hbm.at[pl.ds(off, _CHT)], sh_v)
        c1 = pltpu.async_copy(y_hbm.at[i1_v], y1_v, sem)
        c2 = pltpu.async_copy(y_hbm.at[i2_v], y2_v, sem)
        c1.wait()
        c2.wait()

        def tok(t, carry2):
            w1v = w1_v[t, :]
            w2v = w2_v[t, :]

            def col(j, carry3):
                sl = pl.ds(j * 16, 16)
                sh_v[t, sl] = sh_v[t, sl] + w1v * y1_v[t, sl] + w2v * y2_v[t, sl]
                return carry3

            return lax.fori_loop(0, H // 16, col, carry2)

        lax.fori_loop(0, _CHT, tok, 0)
        pltpu.sync_copy(sh_v, out_hbm.at[pl.ds(off, _CHT)])
        return carry

    lax.fori_loop(0, _TOKW // _CHT, chunk, 0)


def _combine_on_sc(y, shared, pos1, pos2, w1, w2):
    f32 = jnp.float32
    mesh = plsc.VectorSubcoreMesh(core_axis_name="c", subcore_axis_name="s")
    run = pl.kernel(
        _sc_combine,
        out_type=jax.ShapeDtypeStruct((T, H), f32),
        mesh=mesh,
        scratch_types=[
            pltpu.VMEM((_CHT,), jnp.int32),
            pltpu.VMEM((_CHT,), jnp.int32),
            pltpu.VMEM((_CHT, 16), f32),
            pltpu.VMEM((_CHT, 16), f32),
            pltpu.VMEM((_CHT, H), f32),
            pltpu.VMEM((_CHT, H), f32),
            pltpu.VMEM((_CHT, H), f32),
            pltpu.SemaphoreType.DMA,
        ],
    )
    w1x = jnp.broadcast_to(w1[:, None], (T, 16))
    w2x = jnp.broadcast_to(w2[:, None], (T, 16))
    return run(y, shared, pos1, pos2, w1x, w2x)


def kernel(hidden_states, position_ids, ln1_w, ln2_w, W_qkv, W_dense,
           W_gate, W_moe_gu, W_moe_down, W_sh_gu, W_sh_down):
    f32 = jnp.float32
    QKV_W = NH * HD + 2 * NKV * HD

    inv = 1.0 / (THETA ** (jnp.arange(0, HALF, dtype=f32) * 2.0 / HD))
    fr = position_ids.astype(f32)[:, None] * inv[None, :]
    cos = jnp.cos(fr)
    sin = jnp.sin(fr)

    ln1 = ln1_w.reshape(1, H)
    ln2 = ln2_w.reshape(1, H)

    qkv = pl.pallas_call(
        _qkv_body,
        grid=(T // BT,),
        in_specs=[
            pl.BlockSpec((BT, H), lambda b: (b, 0)),
            pl.BlockSpec((1, H), lambda b: (0, 0)),
            pl.BlockSpec((H, QKV_W), lambda b: (0, 0)),
        ],
        out_specs=pl.BlockSpec((BT, QKV_W), lambda b: (b, 0)),
        out_shape=jax.ShapeDtypeStruct((T, QKV_W), f32),
    )(hidden_states, ln1, W_qkv)

    grp = NH // NKV
    qh = qkv[:, :NH * HD].reshape(T, NH, HD).swapaxes(0, 1)
    ctx2 = pl.pallas_call(
        _attn_body,
        grid=(NH // 2, T // BQ),
        in_specs=[
            pl.BlockSpec((BQ, 2 * HD), lambda h2, qb: (qb, h2)),
            pl.BlockSpec((T, 2 * HD), lambda h2, qb: (0, NH // 2 + h2 // 4)),
            pl.BlockSpec((T, 2 * HD), lambda h2, qb: (0, (NH + NKV) // 2 + h2 // 4)),
            pl.BlockSpec((BQ, HALF), lambda h2, qb: (qb, 0)),
            pl.BlockSpec((BQ, HALF), lambda h2, qb: (qb, 0)),
            pl.BlockSpec((T, HALF), lambda h2, qb: (0, 0)),
            pl.BlockSpec((T, HALF), lambda h2, qb: (0, 0)),
        ],
        out_specs=pl.BlockSpec((BQ, 2 * HD), lambda h2, qb: (qb, h2)),
        out_shape=jax.ShapeDtypeStruct((T, NH * HD), f32),
    )(qkv, qkv, qkv, cos, sin, cos, sin)

    wg_pad = jnp.zeros((H, 128), f32).at[:, :E].set(W_gate)
    residual, x2, ti_pad, tw_pad, shared = pl.pallas_call(
        _post_body,
        grid=(T // BT,),
        in_specs=[
            pl.BlockSpec((BT, NH * HD), lambda b: (b, 0)),
            pl.BlockSpec((NH * HD, H), lambda b: (0, 0)),
            pl.BlockSpec((BT, H), lambda b: (b, 0)),
            pl.BlockSpec((1, H), lambda b: (0, 0)),
            pl.BlockSpec((H, 128), lambda b: (0, 0)),
            pl.BlockSpec((H, 2 * I_FF), lambda b: (0, 0)),
            pl.BlockSpec((I_FF, H), lambda b: (0, 0)),
        ],
        out_specs=[
            pl.BlockSpec((BT, H), lambda b: (b, 0)),
            pl.BlockSpec((BT, H), lambda b: (b, 0)),
            pl.BlockSpec((BT, 128), lambda b: (b, 0)),
            pl.BlockSpec((BT, 128), lambda b: (b, 0)),
            pl.BlockSpec((BT, H), lambda b: (b, 0)),
        ],
        out_shape=[
            jax.ShapeDtypeStruct((T, H), f32),
            jax.ShapeDtypeStruct((T, H), f32),
            jax.ShapeDtypeStruct((T, 128), jnp.int32),
            jax.ShapeDtypeStruct((T, 128), f32),
            jax.ShapeDtypeStruct((T, H), f32),
        ],
    )(ctx2, W_dense, hidden_states, ln2, wg_pad, W_sh_gu, W_sh_down)

    w1 = tw_pad[:, 0]
    w2 = tw_pad[:, 1]
    e2d = ti_pad[:, :TOPK].reshape(NPAIR, 1)
    ps2d, cnt = pl.pallas_call(
        _meta_body,
        grid=(1,),
        in_specs=[pl.BlockSpec((NPAIR, 1), lambda i: (0, 0))],
        out_specs=[
            pl.BlockSpec((NPAIR, 1), lambda i: (0, 0)),
            pl.BlockSpec((1, 128), lambda i: (0, 0)),
        ],
        out_shape=[
            jax.ShapeDtypeStruct((NPAIR, 1), jnp.int32),
            jax.ShapeDtypeStruct((1, 128), f32),
        ],
        scratch_shapes=[pltpu.VMEM((NPAIR, 128), f32)],
    )(e2d)
    ps = ps2d[:, 0]
    counts = cnt[0, :E].astype(jnp.int32)
    padded = ((counts + MBT - 1) // MBT) * MBT
    pend = jnp.cumsum(padded)
    src_tok = jnp.zeros((P,), jnp.int32).at[ps].set(
        (jnp.arange(NPAIR, dtype=jnp.int32) // TOPK))
    pos1 = ps[0::TOPK]
    pos2 = ps[1::TOPK]
    block_expert = jnp.minimum(
        jnp.searchsorted(pend, jnp.arange(NB, dtype=jnp.int32) * MBT,
                         side='right').astype(jnp.int32), E - 1)

    x_sorted = x2[src_tok]

    y = pl.pallas_call(
        _moe_body,
        grid_spec=pltpu.PrefetchScalarGridSpec(
            num_scalar_prefetch=1,
            grid=(NB,),
            in_specs=[
                pl.BlockSpec((MBT, H), lambda b, be: (b, 0)),
                pl.BlockSpec((1, H, 2 * I_FF), lambda b, be: (be[b], 0, 0)),
                pl.BlockSpec((1, I_FF, H), lambda b, be: (be[b], 0, 0)),
            ],
            out_specs=pl.BlockSpec((MBT, H), lambda b, be: (b, 0)),
        ),
        out_shape=jax.ShapeDtypeStruct((P, H), f32),
    )(block_expert, x_sorted, W_moe_gu, W_moe_down)

    mlp_out = _combine_on_sc(y, shared, pos1, pos2, w1, w2)

    return (mlp_out, residual)

# --- scband reference (transcript-rebuilt; emitter-appended) ---
"""Pipeline reference for scband-bailing-moe-block-80522046865498 (READ-ONLY COPY).

The authoritative reference and input builder live on the scoring server;
editing this copy changes nothing except your own understanding.
"""

import jax, jax.numpy as jnp
import numpy as np

H = 1024
NH = 16
NKV = 4
HD = 64
E = 8
TOPK = 2
I_FF = 512
T = 2048
EPS = 1e-6
THETA = 10000.0
SCALE = HD ** -0.5


def rmsnorm(x, w):
    var = jnp.mean(x * x, axis=-1, keepdims=True)
    return x * jax.lax.rsqrt(var + EPS) * w


def apply_rope(x, pos):
    half = HD // 2
    inv = 1.0 / (THETA ** (jnp.arange(0, half, dtype=jnp.float32) * 2.0 / HD))
    fr = pos.astype(jnp.float32)[:, None] * inv[None, :]
    cos = jnp.cos(fr)[:, None, :]
    sin = jnp.sin(fr)[:, None, :]
    x1 = x[..., :half]
    x2 = x[..., half:]
    return jnp.concatenate([x1 * cos - x2 * sin, x2 * cos + x1 * sin], axis=-1)


def attention(x, pos, W_qkv, W_dense):
    qkv = x @ W_qkv
    q = qkv[:, : NH * HD].reshape(T, NH, HD)
    k = qkv[:, NH * HD : NH * HD + NKV * HD].reshape(T, NKV, HD)
    v = qkv[:, NH * HD + NKV * HD :].reshape(T, NKV, HD)
    q = apply_rope(q, pos)
    k = apply_rope(k, pos)
    k = jnp.repeat(k, NH // NKV, axis=1)
    v = jnp.repeat(v, NH // NKV, axis=1)
    scores = jnp.einsum('tnh,snh->nts', q, k) * SCALE
    mask = jnp.tril(jnp.ones((T, T), dtype=bool))
    scores = jnp.where(mask[None, :, :], scores, jnp.float32(-1e9))
    p = jax.nn.softmax(scores, axis=-1)
    ctx = jnp.einsum('nts,snh->tnh', p, v).reshape(T, NH * HD)
    return ctx @ W_dense


def silu_and_mul(x):
    d = x.shape[-1] // 2
    return jax.nn.silu(x[..., :d]) * x[..., d:]


def moe(x, W_gate, W_moe_gu, W_moe_down, W_sh_gu, W_sh_down):
    shared = silu_and_mul(x @ W_sh_gu) @ W_sh_down
    logits = x @ W_gate
    probs = jax.nn.softmax(logits, axis=-1)
    topv, topi = jax.lax.top_k(probs, TOPK)
    w = topv / jnp.sum(topv, axis=-1, keepdims=True)
    w_dense = jnp.zeros((x.shape[0], E), dtype=x.dtype).at[jnp.arange(x.shape[0])[:, None], topi].add(w)
    out = jnp.zeros_like(x)
    for e in range(E):
        h = silu_and_mul(x @ W_moe_gu[e]) @ W_moe_down[e]
        out = out + w_dense[:, e : e + 1] * h
    return out + shared


def setup_inputs(seed: int = 0):
    key = jax.random.key(seed)
    ks = jax.random.split(key, 10)
    def rn(k, shape, scale=0.02):
        return jax.random.normal(k, shape, dtype=jnp.float32) * scale
    return {
        'hidden_states': jax.random.normal(ks[0], (T, H), dtype=jnp.float32),
        'position_ids': jnp.arange(T, dtype=jnp.int32),
        'ln1_w': jnp.ones((H,), dtype=jnp.float32),
        'ln2_w': jnp.ones((H,), dtype=jnp.float32),
        'W_qkv': rn(ks[1], (H, NH * HD + 2 * NKV * HD)),
        'W_dense': rn(ks[2], (NH * HD, H)),
        'W_gate': rn(ks[3], (H, E)),
        'W_moe_gu': rn(ks[4], (E, H, 2 * I_FF)),
        'W_moe_down': rn(ks[5], (E, I_FF, H)),
        'W_sh_gu': rn(ks[6], (H, 2 * I_FF)),
        'W_sh_down': rn(ks[7], (I_FF, H)),
    }


def reference(hidden_states, position_ids, ln1_w, ln2_w, W_qkv, W_dense, W_gate, W_moe_gu, W_moe_down, W_sh_gu, W_sh_down):
    # residual is None path: residual = hidden_states, normed = rmsnorm(hidden_states)
    residual = hidden_states
    x = rmsnorm(hidden_states, ln1_w)
    attn_out = attention(x, position_ids, W_qkv, W_dense)
    # fused add + rmsnorm (post_attention_layernorm with residual)
    residual = attn_out + residual
    x = rmsnorm(residual, ln2_w)
    mlp_out = moe(x, W_gate, W_moe_gu, W_moe_down, W_sh_gu, W_sh_down)
    return (mlp_out, residual)

if __name__ == "__main__":
    import jax
    _d = setup_inputs()
    print(jax.jit(kernel)(*tuple(_d.values())))

</pallas_src>

<mosaic_0001>
#map = affine_map<(d0, d1) -> (0, 0)>
#map1 = affine_map<(d0, d1) -> (0)>
module attributes {stable_mosaic.version = 14 : i64} {
  func.func @_sc_combine(%arg0: i32, %arg1: i32, %arg2: memref<6144x1024xf32, #tpu.memory_space<hbm>>, %arg3: memref<2048x1024xf32, #tpu.memory_space<hbm>>, %arg4: memref<2048xi32, #tpu.memory_space<hbm>>, %arg5: memref<2048xi32, #tpu.memory_space<hbm>>, %arg6: memref<2048x16xf32, #tpu.memory_space<hbm>>, %arg7: memref<2048x16xf32, #tpu.memory_space<hbm>>, %arg8: memref<2048x1024xf32, #tpu.memory_space<hbm>>, %arg9: memref<32xi32, #tpu.memory_space<vmem>>, %arg10: memref<32xi32, #tpu.memory_space<vmem>>, %arg11: memref<32x16xf32, #tpu.memory_space<vmem>>, %arg12: memref<32x16xf32, #tpu.memory_space<vmem>>, %arg13: memref<32x1024xf32, #tpu.memory_space<vmem>>, %arg14: memref<32x1024xf32, #tpu.memory_space<vmem>>, %arg15: memref<32x1024xf32, #tpu.memory_space<vmem>>, %arg16: memref<!tpu.dma_semaphore, #tpu.memory_space<semaphore_mem>>) attributes {dimension_semantics = [#tpu.dimension_semantics<core_parallel>, #tpu.dimension_semantics<subcore_parallel>], iteration_bounds = array<i64: 2, 16>, scalar_prefetch = 0 : i64, scratch_operands = 8 : i64, tpu.core_type = #tpu.core_type<sc_vector_subcore>, window_params = [{transform_indices = #map}, {transform_indices = #map}, {transform_indices = #map1}, {transform_indices = #map1}, {transform_indices = #map}, {transform_indices = #map}, {transform_indices = #map}]} {
    %mul3A = arith.constant 2 : i32
    %mul3A_0 = arith.muli %arg1, %mul3A : i32
    %add3A = arith.addi %mul3A_0, %arg0 : i32
    %mul3A_1 = arith.constant 64 : i32
    %mul3A_2 = arith.muli %add3A, %mul3A_1 : i32
    %scan3A = arith.constant 0 : i32
    %scan3A_3 = arith.constant 0 : i32
    %scan3A_4 = arith.constant 2 : i32
    %scan3A_5 = arith.addi %scan3A_3, %scan3A_4 : i32
    %scan3A_6 = arith.constant 1 : i32
    scf.for %scan3A_8 = %scan3A_3 to %scan3A_5 step %scan3A_6  : i32 {
      %mul3A_9 = arith.constant 32 : i32
      %mul3A_10 = arith.muli %scan3A_8, %mul3A_9 : i32
      %add3A_11 = arith.addi %mul3A_2, %mul3A_10 : i32
      "tpu.region"() ({
        %run_scoped3A = tpu.sem_alloc : memref<!tpu.dma_semaphore, #tpu.memory_space<semaphore_mem>>
        %dma_start3A_28 = tpu.memref_slice %arg4[%add3A_11] : memref<2048xi32, #tpu.memory_space<hbm>> -> memref<32xi32, #tpu.memory_space<hbm>>
        %dma_start3A_29 = tpu.memref_slice %arg4[%add3A_11] : memref<2048xi32, #tpu.memory_space<hbm>> -> memref<32xi32, #tpu.memory_space<hbm>>
        tpu.enqueue_dma source(%dma_start3A_29 : memref<32xi32, #tpu.memory_space<hbm>>) target(%arg9 : memref<32xi32, #tpu.memory_space<vmem>>) target_semaphore(%run_scoped3A : memref<!tpu.dma_semaphore, #tpu.memory_space<semaphore_mem>>)
        %dma_wait3A_30 = tpu.memref_slice %arg4[%add3A_11] : memref<2048xi32, #tpu.memory_space<hbm>> -> memref<32xi32, #tpu.memory_space<hbm>>
        %dma_wait3A_31 = tpu.memref_slice %arg4[%add3A_11] : memref<2048xi32, #tpu.memory_space<hbm>> -> memref<32xi32, #tpu.memory_space<hbm>>
        tpu.wait_dma2 semaphore(%run_scoped3A : memref<!tpu.dma_semaphore, #tpu.memory_space<semaphore_mem>>) src(%dma_wait3A_31 : memref<32xi32, #tpu.memory_space<hbm>>) dst(%arg9 : memref<32xi32, #tpu.memory_space<vmem>>)
        tpu.yield
      }) : () -> ()
      "tpu.region"() ({
        %run_scoped3A = tpu.sem_alloc : memref<!tpu.dma_semaphore, #tpu.memory_space<semaphore_mem>>
        %dma_start3A_28 = tpu.memref_slice %arg5[%add3A_11] : memref<2048xi32, #tpu.memory_space<hbm>> -> memref<32xi32, #tpu.memory_space<hbm>>
        %dma_start3A_29 = tpu.memref_slice %arg5[%add3A_11] : memref<2048xi32, #tpu.memory_space<hbm>> -> memref<32xi32, #tpu.memory_space<hbm>>
        tpu.enqueue_dma source(%dma_start3A_29 : memref<32xi32, #tpu.memory_space<hbm>>) target(%arg10 : memref<32xi32, #tpu.memory_space<vmem>>) target_semaphore(%run_scoped3A : memref<!tpu.dma_semaphore, #tpu.memory_space<semaphore_mem>>)
        %dma_wait3A_30 = tpu.memref_slice %arg5[%add3A_11] : memref<2048xi32, #tpu.memory_space<hbm>> -> memref<32xi32, #tpu.memory_space<hbm>>
        %dma_wait3A_31 = tpu.memref_slice %arg5[%add3A_11] : memref<2048xi32, #tpu.memory_space<hbm>> -> memref<32xi32, #tpu.memory_space<hbm>>
        tpu.wait_dma2 semaphore(%run_scoped3A : memref<!tpu.dma_semaphore, #tpu.memory_space<semaphore_mem>>) src(%dma_wait3A_31 : memref<32xi32, #tpu.memory_space<hbm>>) dst(%arg10 : memref<32xi32, #tpu.memory_space<vmem>>)
        tpu.yield
      }) : () -> ()
      "tpu.region"() ({
        %run_scoped3A = tpu.sem_alloc : memref<!tpu.dma_semaphore, #tpu.memory_space<semaphore_mem>>
        %dma_start3A_28 = arith.constant 0 : i32
        %dma_start3A_29 = tpu.memref_slice %arg6[%add3A_11, %dma_start3A_28] : memref<2048x16xf32, #tpu.memory_space<hbm>> -> memref<32x16xf32, #tpu.memory_space<hbm>>
        %dma_start3A_30 = arith.constant 0 : i32
        %dma_start3A_31 = tpu.memref_slice %arg6[%add3A_11, %dma_start3A_30] : memref<2048x16xf32, #tpu.memory_space<hbm>> -> memref<32x16xf32, #tpu.memory_space<hbm>>
        tpu.enqueue_dma source(%dma_start3A_31 : memref<32x16xf32, #tpu.memory_space<hbm>>) target(%arg11 : memref<32x16xf32, #tpu.memory_space<vmem>>) target_semaphore(%run_scoped3A : memref<!tpu.dma_semaphore, #tpu.memory_space<semaphore_mem>>)
        %dma_wait3A_32 = arith.constant 0 : i32
        %dma_wait3A_33 = tpu.memref_slice %arg6[%add3A_11, %dma_wait3A_32] : memref<2048x16xf32, #tpu.memory_space<hbm>> -> memref<32x16xf32, #tpu.memory_space<hbm>>
        %dma_wait3A_34 = arith.constant 0 : i32
        %dma_wait3A_35 = tpu.memref_slice %arg6[%add3A_11, %dma_wait3A_34] : memref<2048x16xf32, #tpu.memory_space<hbm>> -> memref<32x16xf32, #tpu.memory_space<hbm>>
        tpu.wait_dma2 semaphore(%run_scoped3A : memref<!tpu.dma_semaphore, #tpu.memory_space<semaphore_mem>>) src(%dma_wait3A_35 : memref<32x16xf32, #tpu.memory_space<hbm>>) dst(%arg11 : memref<32x16xf32, #tpu.memory_space<vmem>>)
        tpu.yield
      }) : () -> ()
      "tpu.region"() ({
        %run_scoped3A = tpu.sem_alloc : memref<!tpu.dma_semaphore, #tpu.memory_space<semaphore_mem>>
        %dma_start3A_28 = arith.constant 0 : i32
        %dma_start3A_29 = tpu.memref_slice %arg7[%add3A_11, %dma_start3A_28] : memref<2048x16xf32, #tpu.memory_space<hbm>> -> memref<32x16xf32, #tpu.memory_space<hbm>>
        %dma_start3A_30 = arith.constant 0 : i32
        %dma_start3A_31 = tpu.memref_slice %arg7[%add3A_11, %dma_start3A_30] : memref<2048x16xf32, #tpu.memory_space<hbm>> -> memref<32x16xf32, #tpu.memory_space<hbm>>
        tpu.enqueue_dma source(%dma_start3A_31 : memref<32x16xf32, #tpu.memory_space<hbm>>) target(%arg12 : memref<32x16xf32, #tpu.memory_space<vmem>>) target_semaphore(%run_scoped3A : memref<!tpu.dma_semaphore, #tpu.memory_space<semaphore_mem>>)
        %dma_wait3A_32 = arith.constant 0 : i32
        %dma_wait3A_33 = tpu.memref_slice %arg7[%add3A_11, %dma_wait3A_32] : memref<2048x16xf32, #tpu.memory_space<hbm>> -> memref<32x16xf32, #tpu.memory_space<hbm>>
        %dma_wait3A_34 = arith.constant 0 : i32
        %dma_wait3A_35 = tpu.memref_slice %arg7[%add3A_11, %dma_wait3A_34] : memref<2048x16xf32, #tpu.memory_space<hbm>> -> memref<32x16xf32, #tpu.memory_space<hbm>>
        tpu.wait_dma2 semaphore(%run_scoped3A : memref<!tpu.dma_semaphore, #tpu.memory_space<semaphore_mem>>) src(%dma_wait3A_35 : memref<32x16xf32, #tpu.memory_space<hbm>>) dst(%arg12 : memref<32x16xf32, #tpu.memory_space<vmem>>)
        tpu.yield
      }) : () -> ()
      "tpu.region"() ({
        %run_scoped3A = tpu.sem_alloc : memref<!tpu.dma_semaphore, #tpu.memory_space<semaphore_mem>>
        %dma_start3A_28 = arith.constant 0 : i32
        %dma_start3A_29 = tpu.memref_slice %arg3[%add3A_11, %dma_start3A_28] : memref<2048x1024xf32, #tpu.memory_space<hbm>> -> memref<32x1024xf32, #tpu.memory_space<hbm>>
        %dma_start3A_30 = arith.constant 0 : i32
        %dma_start3A_31 = tpu.memref_slice %arg3[%add3A_11, %dma_start3A_30] : memref<2048x1024xf32, #tpu.memory_space<hbm>> -> memref<32x1024xf32, #tpu.memory_space<hbm>>
        tpu.enqueue_dma source(%dma_start3A_31 : memref<32x1024xf32, #tpu.memory_space<hbm>>) target(%arg15 : memref<32x1024xf32, #tpu.memory_space<vmem>>) target_semaphore(%run_scoped3A : memref<!tpu.dma_semaphore, #tpu.memory_space<semaphore_mem>>)
        %dma_wait3A_32 = arith.constant 0 : i32
        %dma_wait3A_33 = tpu.memref_slice %arg3[%add3A_11, %dma_wait3A_32] : memref<2048x1024xf32, #tpu.memory_space<hbm>> -> memref<32x1024xf32, #tpu.memory_space<hbm>>
        %dma_wait3A_34 = arith.constant 0 : i32
        %dma_wait3A_35 = tpu.memref_slice %arg3[%add3A_11, %dma_wait3A_34] : memref<2048x1024xf32, #tpu.memory_space<hbm>> -> memref<32x1024xf32, #tpu.memory_space<hbm>>
        tpu.wait_dma2 semaphore(%run_scoped3A : memref<!tpu.dma_semaphore, #tpu.memory_space<semaphore_mem>>) src(%dma_wait3A_35 : memref<32x1024xf32, #tpu.memory_space<hbm>>) dst(%arg15 : memref<32x1024xf32, #tpu.memory_space<vmem>>)
        tpu.yield
      }) : () -> ()
      %dma_start3A = arith.constant 0 : i32
      %dma_start3A_12 = arith.constant 0 : i32
      %dma_start3A_13 = tpu.memref_slice %arg2[%dma_start3A, %dma_start3A_12] : memref<6144x1024xf32, #tpu.memory_space<hbm>> -> memref<6144x1024xf32, #tpu.memory_space<hbm>>
      tpu.enqueue_indirect_dma source(%dma_start3A_13 : memref<6144x1024xf32, #tpu.memory_space<hbm>>) target(%arg13 : memref<32x1024xf32, #tpu.memory_space<vmem>>) offsets(%arg9 : memref<32xi32, #tpu.memory_space<vmem>>) semaphore(%arg16 : memref<!tpu.dma_semaphore, #tpu.memory_space<semaphore_mem>>)
      %dma_start3A_14 = arith.constant 0 : i32
      %dma_start3A_15 = arith.constant 0 : i32
      %dma_start3A_16 = tpu.memref_slice %arg2[%dma_start3A_14, %dma_start3A_15] : memref<6144x1024xf32, #tpu.memory_space<hbm>> -> memref<6144x1024xf32, #tpu.memory_space<hbm>>
      tpu.enqueue_indirect_dma source(%dma_start3A_16 : memref<6144x1024xf32, #tpu.memory_space<hbm>>) target(%arg14 : memref<32x1024xf32, #tpu.memory_space<vmem>>) offsets(%arg10 : memref<32xi32, #tpu.memory_space<vmem>>) semaphore(%arg16 : memref<!tpu.dma_semaphore, #tpu.memory_space<semaphore_mem>>)
      %dma_wait3A = arith.constant 0 : i32
      %dma_wait3A_17 = arith.constant 0 : i32
      %dma_wait3A_18 = tpu.memref_slice %arg2[%dma_wait3A, %dma_wait3A_17] : memref<6144x1024xf32, #tpu.memory_space<hbm>> -> memref<6144x1024xf32, #tpu.memory_space<hbm>>
      tpu.wait_indirect_dma semaphore(%arg16 : memref<!tpu.dma_semaphore, #tpu.memory_space<semaphore_mem>>) src(%dma_wait3A_18 : memref<6144x1024xf32, #tpu.memory_space<hbm>>) dst(%arg13 : memref<32x1024xf32, #tpu.memory_space<vmem>>)
      %dma_wait3A_19 = arith.constant 0 : i32
      %dma_wait3A_20 = arith.constant 0 : i32
      %dma_wait3A_21 = tpu.memref_slice %arg2[%dma_wait3A_19, %dma_wait3A_20] : memref<6144x1024xf32, #tpu.memory_space<hbm>> -> memref<6144x1024xf32, #tpu.memory_space<hbm>>
      tpu.wait_indirect_dma semaphore(%arg16 : memref<!tpu.dma_semaphore, #tpu.memory_space<semaphore_mem>>) src(%dma_wait3A_21 : memref<6144x1024xf32, #tpu.memory_space<hbm>>) dst(%arg14 : memref<32x1024xf32, #tpu.memory_space<vmem>>)
      %scan3A_22 = arith.constant 0 : i32
      %scan3A_23 = arith.constant 0 : i32
      %scan3A_24 = arith.constant 32 : i32
      %scan3A_25 = arith.addi %scan3A_23, %scan3A_24 : i32
      %scan3A_26 = arith.constant 1 : i32
      scf.for %scan3A_28 = %scan3A_23 to %scan3A_25 step %scan3A_26  : i32 {
        %get3A = arith.index_cast %scan3A_28 : i32 to index
        %get3A_29 = arith.constant 0 : index
        %get3A_30 = tpu.vector_load %arg11[%get3A, %get3A_29] {strides = array<i32>} : memref<32x16xf32, #tpu.memory_space<vmem>>, vector<1x16xf32>,
        %get3A_31 = vector.shape_cast %get3A_30 : vector<1x16xf32> to vector<16xf32>
        %get3A_32 = arith.index_cast %scan3A_28 : i32 to index
        %get3A_33 = arith.constant 0 : index
        %get3A_34 = tpu.vector_load %arg12[%get3A_32, %get3A_33] {strides = array<i32>} : memref<32x16xf32, #tpu.memory_space<vmem>>, vector<1x16xf32>,
        %get3A_35 = vector.shape_cast %get3A_34 : vector<1x16xf32> to vector<16xf32>
        %scan3A_36 = arith.constant 0 : i32
        %scan3A_37 = arith.constant 64 : i32
        %scan3A_38 = arith.addi %scan3A_36, %scan3A_37 : i32
        %scan3A_39 = arith.constant 1 : i32
        scf.for %scan3A_41 = %scan3A_36 to %scan3A_38 step %scan3A_39  : i32 {
          %mul3A_42 = arith.constant 16 : i32
          %mul3A_43 = arith.muli %scan3A_41, %mul3A_42 : i32
          %get3A_44 = arith.index_cast %scan3A_28 : i32 to index
          %get3A_45 = arith.index_cast %mul3A_43 : i32 to index
          %get3A_46 = tpu.vector_load %arg15[%get3A_44, %get3A_45] {strides = array<i32>} : memref<32x1024xf32, #tpu.memory_space<vmem>>, vector<1x16xf32>,
          %get3A_47 = vector.shape_cast %get3A_46 : vector<1x16xf32> to vector<16xf32>
          %get3A_48 = arith.index_cast %scan3A_28 : i32 to index
          %get3A_49 = arith.index_cast %mul3A_43 : i32 to index
          %get3A_50 = tpu.vector_load %arg13[%get3A_48, %get3A_49] {strides = array<i32>} : memref<32x1024xf32, #tpu.memory_space<vmem>>, vector<1x16xf32>,
          %get3A_51 = vector.shape_cast %get3A_50 : vector<1x16xf32> to vector<16xf32>
          %mul3A_52 = arith.mulf %get3A_31, %get3A_51 : vector<16xf32>
          %add3A_53 = arith.addf %get3A_47, %mul3A_52 : vector<16xf32>
          %get3A_54 = arith.index_cast %scan3A_28 : i32 to index
          %get3A_55 = arith.index_cast %mul3A_43 : i32 to index
          %get3A_56 = tpu.vector_load %arg14[%get3A_54, %get3A_55] {strides = array<i32>} : memref<32x1024xf32, #tpu.memory_space<vmem>>, vector<1x16xf32>,
          %get3A_57 = vector.shape_cast %get3A_56 : vector<1x16xf32> to vector<16xf32>
          %mul3A_58 = arith.mulf %get3A_35, %get3A_57 : vector<16xf32>
          %add3A_59 = arith.addf %add3A_53, %mul3A_58 : vector<16xf32>
          %swap3A = arith.index_cast %scan3A_28 : i32 to index
          %swap3A_60 = arith.index_cast %mul3A_43 : i32 to index
          %swap3A_61 = tpu.vector_load %arg15[%swap3A, %swap3A_60] {strides = array<i32>} : memref<32x1024xf32, #tpu.memory_space<vmem>>, vector<1x16xf32>,
          %swap3A_62 = vector.shape_cast %swap3A_61 : vector<1x16xf32> to vector<16xf32>
          %swap3A_63 = vector.shape_cast %add3A_59 : vector<16xf32> to vector<1x16xf32>
          tpu.vector_store %arg15[%swap3A, %swap3A_60], %swap3A_63 {strides = array<i32>} : memref<32x1024xf32, #tpu.memory_space<vmem>>, vector<1x16xf32>,
        }
        %scan3A_40 = arith.constant 64 : i32
      }
      %scan3A_27 = arith.constant 32 : i32
      "tpu.region"() ({
        %run_scoped3A = tpu.sem_alloc : memref<!tpu.dma_semaphore, #tpu.memory_space<semaphore_mem>>
        %dma_start3A_28 = arith.constant 0 : i32
        %dma_start3A_29 = tpu.memref_slice %arg8[%add3A_11, %dma_start3A_28] : memref<2048x1024xf32, #tpu.memory_space<hbm>> -> memref<32x1024xf32, #tpu.memory_space<hbm>>
        %dma_start3A_30 = arith.constant 0 : i32
        %dma_start3A_31 = tpu.memref_slice %arg8[%add3A_11, %dma_start3A_30] : memref<2048x1024xf32, #tpu.memory_space<hbm>> -> memref<32x1024xf32, #tpu.memory_space<hbm>>
        tpu.enqueue_dma source(%arg15 : memref<32x1024xf32, #tpu.memory_space<vmem>>) target(%dma_start3A_31 : memref<32x1024xf32, #tpu.memory_space<hbm>>) target_semaphore(%run_scoped3A : memref<!tpu.dma_semaphore, #tpu.memory_space<semaphore_mem>>)
        %dma_wait3A_32 = arith.constant 0 : i32
        %dma_wait3A_33 = tpu.memref_slice %arg8[%add3A_11, %dma_wait3A_32] : memref<2048x1024xf32, #tpu.memory_space<hbm>> -> memref<32x1024xf32, #tpu.memory_space<hbm>>
        %dma_wait3A_34 = arith.constant 0 : i32
        %dma_wait3A_35 = tpu.memref_slice %arg8[%add3A_11, %dma_wait3A_34] : memref<2048x1024xf32, #tpu.memory_space<hbm>> -> memref<32x1024xf32, #tpu.memory_space<hbm>>
        tpu.wait_dma2 semaphore(%run_scoped3A : memref<!tpu.dma_semaphore, #tpu.memory_space<semaphore_mem>>) src(%arg15 : memref<32x1024xf32, #tpu.memory_space<vmem>>) dst(%dma_wait3A_35 : memref<32x1024xf32, #tpu.memory_space<hbm>>)
        tpu.yield
      }) : () -> ()
    }
    %scan3A_7 = arith.constant 2 : i32
    return
  }
}

module attributes {stable_mosaic.version = 14 : i64} {
  func.func @_qkv_body(%arg0: i32, %arg1: memref<256x1024xf32, #tpu.memory_space<vmem>>, %arg2: memref<1x1024xf32, #tpu.memory_space<vmem>>, %arg3: memref<1024x1536xf32, #tpu.memory_space<vmem>>, %arg4: memref<256x1536xf32, #tpu.memory_space<vmem>>) attributes {dimension_semantics = [#tpu.dimension_semantics<arbitrary>], iteration_bounds = array<i64: 8>, scalar_prefetch = 0 : i64, scratch_operands = 0 : i64, tpu.core_type = #tpu.core_type<tc>, window_params = [{transform_indices = @transform_0, window_bounds = array<i64: 256, 1024>}, {pipeline_mode = #tpu.pipeline_mode<synchronous>, transform_indices = @transform_1, window_bounds = array<i64: 1, 1024>}, {pipeline_mode = #tpu.pipeline_mode<synchronous>, transform_indices = @transform_2, window_bounds = array<i64: 1024, 1536>}, {transform_indices = @transform_3, window_bounds = array<i64: 256, 1536>}]} {
    %get3A = arith.constant 0 : index
    %get3A_0 = arith.constant 0 : index
    %get3A_1 = vector.load %arg1[%get3A, %get3A_0] : memref<256x1024xf32, #tpu.memory_space<vmem>>, vector<256x1024xf32>
    %mul3A = arith.mulf %get3A_1, %get3A_1 : vector<256x1024xf32>
    %reduce_sum3A = arith.constant dense<0.000000e+00> : vector<256xf32>
    %reduce_sum3A_2 = vector.multi_reduction <add>, %mul3A, %reduce_sum3A [1] : vector<256x1024xf32> to vector<256xf32>
    %broadcast_in_dim3A = vector.shape_cast %reduce_sum3A_2 : vector<256xf32> to vector<256x1xf32>
    %div3A = arith.constant 1.024000e+03 : f32
    %div3A_3 = vector.broadcast %div3A : f32 to vector<256x1xf32>
    %div3A_4 = arith.divf %broadcast_in_dim3A, %div3A_3 : vector<256x1xf32>
    %add3A = arith.constant 9.99999997E-7 : f32
    %add3A_5 = vector.broadcast %add3A : f32 to vector<256x1xf32>
    %add3A_6 = arith.addf %div3A_4, %add3A_5 : vector<256x1xf32>
    %rsqrt3A = math.rsqrt %add3A_6 : vector<256x1xf32>
    %mul3A_7 = vector.broadcast %rsqrt3A : vector<256x1xf32> to vector<256x1024xf32>
    %mul3A_8 = arith.mulf %get3A_1, %mul3A_7 : vector<256x1024xf32>
    %get3A_9 = arith.constant 0 : index
    %get3A_10 = arith.constant 0 : index
    %get3A_11 = vector.load %arg2[%get3A_9, %get3A_10] : memref<1x1024xf32, #tpu.memory_space<vmem>>, vector<1x1024xf32>
    %mul3A_12 = vector.broadcast %get3A_11 : vector<1x1024xf32> to vector<256x1024xf32>
    %mul3A_13 = arith.mulf %mul3A_8, %mul3A_12 : vector<256x1024xf32>
    %get3A_14 = arith.constant 0 : index
    %get3A_15 = arith.constant 0 : index
    %get3A_16 = vector.load %arg3[%get3A_14, %get3A_15] : memref<1024x1536xf32, #tpu.memory_space<vmem>>, vector<1024x1536xf32>
    %dot_general3A = arith.constant dense<0.000000e+00> : vector<256x1536xf32>
    %dot_general3A_17 = tpu.matmul %mul3A_13, %get3A_16, %dot_general3A {dimension_numbers = #tpu.dot_dimension_numbers<[1], [0], [0], [1], [0, 0, 1, 1], [], []>, transpose_lhs_hint = false} : vector<256x1024xf32>, vector<1024x1536xf32>, vector<256x1536xf32> -> vector<256x1536xf32>
    %swap3A = arith.constant 0 : index
    %swap3A_18 = arith.constant 0 : index
    %swap3A_19 = vector.load %arg4[%swap3A, %swap3A_18] : memref<256x1536xf32, #tpu.memory_space<vmem>>, vector<256x1536xf32>
    tpu.vector_store %arg4[%swap3A, %swap3A_18], %dot_general3A_17 {strides = array<i32>} : memref<256x1536xf32, #tpu.memory_space<vmem>>, vector<256x1536xf32>,
    return
  }
  func.func @transform_0(%arg0: i32) -> (i32, i32) {
    %c0_i32 = arith.constant 0 : i32
    %c0_i32_0 = arith.constant 0 : i32
    return %arg0, %c0_i32 : i32, i32
  }
  func.func @transform_1(%arg0: i32) -> (i32, i32) {
    %c0_i32 = arith.constant 0 : i32
    %c0_i32_0 = arith.constant 0 : i32
    %c0_i32_1 = arith.constant 0 : i32
    return %c0_i32, %c0_i32_0 : i32, i32
  }
  func.func @transform_2(%arg0: i32) -> (i32, i32) {
    %c0_i32 = arith.constant 0 : i32
    %c0_i32_0 = arith.constant 0 : i32
    %c0_i32_1 = arith.constant 0 : i32
    return %c0_i32, %c0_i32_0 : i32, i32
  }
  func.func @transform_3(%arg0: i32) -> (i32, i32) {
    %c0_i32 = arith.constant 0 : i32
    %c0_i32_0 = arith.constant 0 : i32
    return %arg0, %c0_i32 : i32, i32
  }
}

module attributes {stable_mosaic.version = 14 : i64} {
  func.func @_post_body(%arg0: i32, %arg1: memref<256x1024xf32, #tpu.memory_space<vmem>>, %arg2: memref<1024x1024xf32, #tpu.memory_space<vmem>>, %arg3: memref<256x1024xf32, #tpu.memory_space<vmem>>, %arg4: memref<1x1024xf32, #tpu.memory_space<vmem>>, %arg5: memref<1024x128xf32, #tpu.memory_space<vmem>>, %arg6: memref<1024x1024xf32, #tpu.memory_space<vmem>>, %arg7: memref<512x1024xf32, #tpu.memory_space<vmem>>, %arg8: memref<256x1024xf32, #tpu.memory_space<vmem>>, %arg9: memref<256x1024xf32, #tpu.memory_space<vmem>>, %arg10: memref<256x128xi32, #tpu.memory_space<vmem>>, %arg11: memref<256x128xf32, #tpu.memory_space<vmem>>, %arg12: memref<256x1024xf32, #tpu.memory_space<vmem>>) attributes {dimension_semantics = [#tpu.dimension_semantics<arbitrary>], iteration_bounds = array<i64: 8>, scalar_prefetch = 0 : i64, scratch_operands = 0 : i64, tpu.core_type = #tpu.core_type<tc>, window_params = [{transform_indices = @transform_0, window_bounds = array<i64: 256, 1024>}, {pipeline_mode = #tpu.pipeline_mode<synchronous>, transform_indices = @transform_1, window_bounds = array<i64: 1024, 1024>}, {transform_indices = @transform_2, window_bounds = array<i64: 256, 1024>}, {pipeline_mode = #tpu.pipeline_mode<synchronous>, transform_indices = @transform_3, window_bounds = array<i64: 1, 1024>}, {pipeline_mode = #tpu.pipeline_mode<synchronous>, transform_indices = @transform_4, window_bounds = array<i64: 1024, 128>}, {pipeline_mode = #tpu.pipeline_mode<synchronous>, transform_indices = @transform_5, window_bounds = array<i64: 1024, 1024>}, {pipeline_mode = #tpu.pipeline_mode<synchronous>, transform_indices = @transform_6, window_bounds = array<i64: 512, 1024>}, {transform_indices = @transform_7, window_bounds = array<i64: 256, 1024>}, {transform_indices = @transform_8, window_bounds = array<i64: 256, 1024>}, {transform_indices = @transform_9, window_bounds = array<i64: 256, 128>}, {transform_indices = @transform_10, window_bounds = array<i64: 256, 128>}, {transform_indices = @transform_11, window_bounds = array<i64: 256, 1024>}]} {
    %get3A = arith.constant 0 : index
    %get3A_0 = arith.constant 0 : index
    %get3A_1 = vector.load %arg1[%get3A, %get3A_0] : memref<256x1024xf32, #tpu.memory_space<vmem>>, vector<256x1024xf32>
    %get3A_2 = arith.constant 0 : index
    %get3A_3 = arith.constant 0 : index
    %get3A_4 = vector.load %arg2[%get3A_2, %get3A_3] : memref<1024x1024xf32, #tpu.memory_space<vmem>>, vector<1024x1024xf32>
    %dot_general3A = arith.constant dense<0.000000e+00> : vector<256x1024xf32>
    %dot_general3A_5 = tpu.matmul %get3A_1, %get3A_4, %dot_general3A {dimension_numbers = #tpu.dot_dimension_numbers<[1], [0], [0], [1], [0, 0, 1, 1], [], []>, transpose_lhs_hint = false} : vector<256x1024xf32>, vector<1024x1024xf32>, vector<256x1024xf32> -> vector<256x1024xf32>
    %get3A_6 = arith.constant 0 : index
    %get3A_7 = arith.constant 0 : index
    %get3A_8 = vector.load %arg3[%get3A_6, %get3A_7] : memref<256x1024xf32, #tpu.memory_space<vmem>>, vector<256x1024xf32>
    %add3A = arith.addf %dot_general3A_5, %get3A_8 : vector<256x1024xf32>
    %swap3A = arith.constant 0 : index
    %swap3A_9 = arith.constant 0 : index
    %swap3A_10 = vector.load %arg8[%swap3A, %swap3A_9] : memref<256x1024xf32, #tpu.memory_space<vmem>>, vector<256x1024xf32>
    tpu.vector_store %arg8[%swap3A, %swap3A_9], %add3A {strides = array<i32>} : memref<256x1024xf32, #tpu.memory_space<vmem>>, vector<256x1024xf32>,
    %mul3A = arith.mulf %add3A, %add3A : vector<256x1024xf32>
    %reduce_sum3A = arith.constant dense<0.000000e+00> : vector<256xf32>
    %reduce_sum3A_11 = vector.multi_reduction <add>, %mul3A, %reduce_sum3A [1] : vector<256x1024xf32> to vector<256xf32>
    %broadcast_in_dim3A = vector.shape_cast %reduce_sum3A_11 : vector<256xf32> to vector<256x1xf32>
    %div3A = arith.constant 1.024000e+03 : f32
    %div3A_12 = vector.broadcast %div3A : f32 to vector<256x1xf32>
    %div3A_13 = arith.divf %broadcast_in_dim3A, %div3A_12 : vector<256x1xf32>
    %add3A_14 = arith.constant 9.99999997E-7 : f32
    %add3A_15 = vector.broadcast %add3A_14 : f32 to vector<256x1xf32>
    %add3A_16 = arith.addf %div3A_13, %add3A_15 : vector<256x1xf32>
    %rsqrt3A = math.rsqrt %add3A_16 : vector<256x1xf32>
    %mul3A_17 = vector.broadcast %rsqrt3A : vector<256x1xf32> to vector<256x1024xf32>
    %mul3A_18 = arith.mulf %add3A, %mul3A_17 : vector<256x1024xf32>
    %get3A_19 = arith.constant 0 : index
    %get3A_20 = arith.constant 0 : index
    %get3A_21 = vector.load %arg4[%get3A_19, %get3A_20] : memref<1x1024xf32, #tpu.memory_space<vmem>>, vector<1x1024xf32>
    %mul3A_22 = vector.broadcast %get3A_21 : vector<1x1024xf32> to vector<256x1024xf32>
    %mul3A_23 = arith.mulf %mul3A_18, %mul3A_22 : vector<256x1024xf32>
    %swap3A_24 = arith.constant 0 : index
    %swap3A_25 = arith.constant 0 : index
    %swap3A_26 = vector.load %arg9[%swap3A_24, %swap3A_25] : memref<256x1024xf32, #tpu.memory_space<vmem>>, vector<256x1024xf32>
    tpu.vector_store %arg9[%swap3A_24, %swap3A_25], %mul3A_23 {strides = array<i32>} : memref<256x1024xf32, #tpu.memory_space<vmem>>, vector<256x1024xf32>,
    %get3A_27 = arith.constant 0 : index
    %get3A_28 = arith.constant 0 : index
    %get3A_29 = vector.load %arg5[%get3A_27, %get3A_28] : memref<1024x128xf32, #tpu.memory_space<vmem>>, vector<1024x128xf32>
    %dot_general3A_30 = arith.constant dense<0.000000e+00> : vector<256x128xf32>
    %dot_general3A_31 = tpu.matmul %mul3A_23, %get3A_29, %dot_general3A_30 {dimension_numbers = #tpu.dot_dimension_numbers<[1], [0], [0], [1], [0, 0, 1, 1], [], []>, transpose_lhs_hint = false} : vector<256x1024xf32>, vector<1024x128xf32>, vector<256x128xf32> -> vector<256x128xf32>
    %iota3A = tpu.iota {dimensions = array<i32: 1>} : vector<256x128xi32>
    %lt3A = arith.constant 8 : i32
    %lt3A_32 = vector.broadcast %lt3A : i32 to vector<256x128xi32>
    %lt3A_33 = arith.cmpi slt, %iota3A, %lt3A_32 : vector<256x128xi32>
    %jit3A = arith.constant -1.000000e+30 : f32
    %broadcast_in_dim3A_34 = vector.broadcast %jit3A : f32 to vector<256x128xf32>
    %select_n3A = arith.select %lt3A_33, %dot_general3A_31, %broadcast_in_dim3A_34 : vector<256x128xi1>, vector<256x128xf32>
    %reduce_max3A = arith.constant dense<0xFF800000> : vector<256xf32>
    %reduce_max3A_35 = vector.multi_reduction <maximumf>, %select_n3A, %reduce_max3A [1] : vector<256x128xf32> to vector<256xf32>
    %broadcast_in_dim3A_36 = vector.shape_cast %reduce_max3A_35 : vector<256xf32> to vector<256x1xf32>
    %sub3A = vector.broadcast %broadcast_in_dim3A_36 : vector<256x1xf32> to vector<256x128xf32>
    %sub3A_37 = arith.subf %select_n3A, %sub3A : vector<256x128xf32>
    %exp3A = math.exp %sub3A_37 : vector<256x128xf32>
    %reduce_sum3A_38 = arith.constant dense<0.000000e+00> : vector<256xf32>
    %reduce_sum3A_39 = vector.multi_reduction <add>, %exp3A, %reduce_sum3A_38 [1] : vector<256x128xf32> to vector<256xf32>
    %broadcast_in_dim3A_40 = vector.shape_cast %reduce_sum3A_39 : vector<256xf32> to vector<256x1xf32>
    %div3A_41 = vector.broadcast %broadcast_in_dim3A_40 : vector<256x1xf32> to vector<256x128xf32>
    %div3A_42 = arith.divf %exp3A, %div3A_41 : vector<256x128xf32>
    %reduce_max3A_43 = arith.constant dense<0xFF800000> : vector<256xf32>
    %reduce_max3A_44 = vector.multi_reduction <maximumf>, %div3A_42, %reduce_max3A_43 [1] : vector<256x128xf32> to vector<256xf32>
    %broadcast_in_dim3A_45 = vector.shape_cast %reduce_max3A_44 : vector<256xf32> to vector<256x1xf32>
    %eq3A = vector.broadcast %broadcast_in_dim3A_45 : vector<256x1xf32> to vector<256x128xf32>
    %eq3A_46 = arith.cmpf oeq, %div3A_42, %eq3A : vector<256x128xf32>
    %jit3A_47 = arith.constant 10000 : i32
    %broadcast_in_dim3A_48 = vector.broadcast %jit3A_47 : i32 to vector<256x128xi32>
    %select_n3A_49 = arith.select %eq3A_46, %iota3A, %broadcast_in_dim3A_48 : vector<256x128xi1>, vector<256x128xi32>
    %reduce_min3A = arith.constant dense<2147483647> : vector<256xi32>
    %reduce_min3A_50 = vector.multi_reduction <minsi>, %select_n3A_49, %reduce_min3A [1] : vector<256x128xi32> to vector<256xi32>
    %broadcast_in_dim3A_51 = vector.shape_cast %reduce_min3A_50 : vector<256xi32> to vector<256x1xi32>
    %eq3A_52 = vector.broadcast %broadcast_in_dim3A_51 : vector<256x1xi32> to vector<256x128xi32>
    %eq3A_53 = arith.cmpi eq, %iota3A, %eq3A_52 : vector<256x128xi32>
    %jit3A_54 = arith.constant -1.000000e+00 : f32
    %broadcast_in_dim3A_55 = vector.broadcast %jit3A_54 : f32 to vector<256x128xf32>
    %select_n3A_56 = arith.select %eq3A_53, %broadcast_in_dim3A_55, %div3A_42 : vector<256x128xi1>, vector<256x128xf32>
    %reduce_max3A_57 = arith.constant dense<0xFF800000> : vector<256xf32>
    %reduce_max3A_58 = vector.multi_reduction <maximumf>, %select_n3A_56, %reduce_max3A_57 [1] : vector<256x128xf32> to vector<256xf32>
    %broadcast_in_dim3A_59 = vector.shape_cast %reduce_max3A_58 : vector<256xf32> to vector<256x1xf32>
    %eq3A_60 = vector.broadcast %broadcast_in_dim3A_59 : vector<256x1xf32> to vector<256x128xf32>
    %eq3A_61 = arith.cmpf oeq, %select_n3A_56, %eq3A_60 : vector<256x128xf32>
    %jit3A_62 = arith.constant 10000 : i32
    %broadcast_in_dim3A_63 = vector.broadcast %jit3A_62 : i32 to vector<256x128xi32>
    %select_n3A_64 = arith.select %eq3A_61, %iota3A, %broadcast_in_dim3A_63 : vector<256x128xi1>, vector<256x128xi32>
    %reduce_min3A_65 = arith.constant dense<2147483647> : vector<256xi32>
    %reduce_min3A_66 = vector.multi_reduction <minsi>, %select_n3A_64, %reduce_min3A_65 [1] : vector<256x128xi32> to vector<256xi32>
    %broadcast_in_dim3A_67 = vector.shape_cast %reduce_min3A_66 : vector<256xi32> to vector<256x1xi32>
    %add3A_68 = arith.addf %broadcast_in_dim3A_45, %broadcast_in_dim3A_59 : vector<256x1xf32>
    %div3A_69 = arith.divf %broadcast_in_dim3A_45, %add3A_68 : vector<256x1xf32>
    %div3A_70 = arith.divf %broadcast_in_dim3A_59, %add3A_68 : vector<256x1xf32>
    %eq3A_71 = arith.constant 0 : i32
    %eq3A_72 = vector.broadcast %eq3A_71 : i32 to vector<256x128xi32>
    %eq3A_73 = arith.cmpi eq, %iota3A, %eq3A_72 : vector<256x128xi32>
    %eq3A_74 = arith.constant 1 : i32
    %eq3A_75 = vector.broadcast %eq3A_74 : i32 to vector<256x128xi32>
    %eq3A_76 = arith.cmpi eq, %iota3A, %eq3A_75 : vector<256x128xi32>
    %jit3A_77 = arith.constant 0 : i32
    %broadcast_in_dim3A_78 = vector.shape_cast %broadcast_in_dim3A_67 : vector<256x1xi32> to vector<256x1xi32>
    %broadcast_in_dim3A_79 = vector.broadcast %broadcast_in_dim3A_78 : vector<256x1xi32> to vector<256x128xi32>
    %broadcast_in_dim3A_80 = vector.broadcast %jit3A_77 : i32 to vector<256x128xi32>
    %select_n3A_81 = arith.select %eq3A_76, %broadcast_in_dim3A_79, %broadcast_in_dim3A_80 : vector<256x128xi1>, vector<256x128xi32>
    %broadcast_in_dim3A_82 = vector.shape_cast %broadcast_in_dim3A_51 : vector<256x1xi32> to vector<256x1xi32>
    %broadcast_in_dim3A_83 = vector.broadcast %broadcast_in_dim3A_82 : vector<256x1xi32> to vector<256x128xi32>
    %select_n3A_84 = arith.select %eq3A_73, %broadcast_in_dim3A_83, %select_n3A_81 : vector<256x128xi1>, vector<256x128xi32>
    %swap3A_85 = arith.constant 0 : index
    %swap3A_86 = arith.constant 0 : index
    %swap3A_87 = vector.load %arg10[%swap3A_85, %swap3A_86] : memref<256x128xi32, #tpu.memory_space<vmem>>, vector<256x128xi32>
    tpu.vector_store %arg10[%swap3A_85, %swap3A_86], %select_n3A_84 {strides = array<i32>} : memref<256x128xi32, #tpu.memory_space<vmem>>, vector<256x128xi32>,
    %eq3A_88 = arith.constant 0 : i32
    %eq3A_89 = vector.broadcast %eq3A_88 : i32 to vector<256x128xi32>
    %eq3A_90 = arith.cmpi eq, %iota3A, %eq3A_89 : vector<256x128xi32>
    %eq3A_91 = arith.constant 1 : i32
    %eq3A_92 = vector.broadcast %eq3A_91 : i32 to vector<256x128xi32>
    %eq3A_93 = arith.cmpi eq, %iota3A, %eq3A_92 : vector<256x128xi32>
    %jit3A_94 = arith.constant 0.000000e+00 : f32
    %broadcast_in_dim3A_95 = vector.shape_cast %div3A_70 : vector<256x1xf32> to vector<256x1xf32>
    %broadcast_in_dim3A_96 = vector.broadcast %broadcast_in_dim3A_95 : vector<256x1xf32> to vector<256x128xf32>
    %broadcast_in_dim3A_97 = vector.broadcast %jit3A_94 : f32 to vector<256x128xf32>
    %select_n3A_98 = arith.select %eq3A_93, %broadcast_in_dim3A_96, %broadcast_in_dim3A_97 : vector<256x128xi1>, vector<256x128xf32>
    %broadcast_in_dim3A_99 = vector.shape_cast %div3A_69 : vector<256x1xf32> to vector<256x1xf32>
    %broadcast_in_dim3A_100 = vector.broadcast %broadcast_in_dim3A_99 : vector<256x1xf32> to vector<256x128xf32>
    %select_n3A_101 = arith.select %eq3A_90, %broadcast_in_dim3A_100, %select_n3A_98 : vector<256x128xi1>, vector<256x128xf32>
    %swap3A_102 = arith.constant 0 : index
    %swap3A_103 = arith.constant 0 : index
    %swap3A_104 = vector.load %arg11[%swap3A_102, %swap3A_103] : memref<256x128xf32, #tpu.memory_space<vmem>>, vector<256x128xf32>
    tpu.vector_store %arg11[%swap3A_102, %swap3A_103], %select_n3A_101 {strides = array<i32>} : memref<256x128xf32, #tpu.memory_space<vmem>>, vector<256x128xf32>,
    %convert_element_type3A = arith.truncf %mul3A_23 : vector<256x1024xf32> to vector<256x1024xbf16>
    %get3A_105 = arith.constant 0 : index
    %get3A_106 = arith.constant 0 : index
    %get3A_107 = vector.load %arg6[%get3A_105, %get3A_106] : memref<1024x1024xf32, #tpu.memory_space<vmem>>, vector<1024x1024xf32>
    %convert_element_type3A_108 = arith.truncf %get3A_107 : vector<1024x1024xf32> to vector<1024x1024xbf16>
    %dot_general3A_109 = arith.constant dense<0.000000e+00> : vector<256x1024xf32>
    %dot_general3A_110 = tpu.matmul %convert_element_type3A, %convert_element_type3A_108, %dot_general3A_109 {dimension_numbers = #tpu.dot_dimension_numbers<[1], [0], [0], [1], [0, 0, 1, 1], [], []>, transpose_lhs_hint = false} : vector<256x1024xbf16>, vector<1024x1024xbf16>, vector<256x1024xf32> -> vector<256x1024xf32>
    %slice3A = vector.extract_strided_slice %dot_general3A_110 {offsets = [0, 0], sizes = [256, 512], strides = [1, 1]} : vector<256x1024xf32> to vector<256x512xf32>
    %slice3A_111 = vector.extract_strided_slice %dot_general3A_110 {offsets = [0, 512], sizes = [256, 512], strides = [1, 1]} : vector<256x1024xf32> to vector<256x512xf32>
    %neg3A = arith.constant 0.000000e+00 : f32
    %neg3A_112 = vector.broadcast %neg3A : f32 to vector<256x512xf32>
    %neg3A_113 = arith.subf %neg3A_112, %slice3A : vector<256x512xf32>
    %exp3A_114 = math.exp %neg3A_113 : vector<256x512xf32>
    %add3A_115 = arith.constant 1.000000e+00 : f32
    %add3A_116 = vector.broadcast %add3A_115 : f32 to vector<256x512xf32>
    %add3A_117 = arith.addf %add3A_116, %exp3A_114 : vector<256x512xf32>
    %div3A_118 = arith.constant 1.000000e+00 : f32
    %div3A_119 = vector.broadcast %div3A_118 : f32 to vector<256x512xf32>
    %div3A_120 = arith.divf %div3A_119, %add3A_117 : vector<256x512xf32>
    %mul3A_121 = arith.mulf %slice3A, %div3A_120 : vector<256x512xf32>
    %mul3A_122 = arith.mulf %mul3A_121, %slice3A_111 : vector<256x512xf32>
    %convert_element_type3A_123 = arith.truncf %mul3A_122 : vector<256x512xf32> to vector<256x512xbf16>
    %get3A_124 = arith.constant 0 : index
    %get3A_125 = arith.constant 0 : index
    %get3A_126 = vector.load %arg7[%get3A_124, %get3A_125] : memref<512x1024xf32, #tpu.memory_space<vmem>>, vector<512x1024xf32>
    %convert_element_type3A_127 = arith.truncf %get3A_126 : vector<512x1024xf32> to vector<512x1024xbf16>
    %dot_general3A_128 = arith.constant dense<0.000000e+00> : vector<256x1024xf32>
    %dot_general3A_129 = tpu.matmul %convert_element_type3A_123, %convert_element_type3A_127, %dot_general3A_128 {dimension_numbers = #tpu.dot_dimension_numbers<[1], [0], [0], [1], [0, 0, 1, 1], [], []>, transpose_lhs_hint = false} : vector<256x512xbf16>, vector<512x1024xbf16>, vector<256x1024xf32> -> vector<256x1024xf32>
    %swap3A_130 = arith.constant 0 : index
    %swap3A_131 = arith.constant 0 : index
    %swap3A_132 = vector.load %arg12[%swap3A_130, %swap3A_131] : memref<256x1024xf32, #tpu.memory_space<vmem>>, vector<256x1024xf32>
    tpu.vector_store %arg12[%swap3A_130, %swap3A_131], %dot_general3A_129 {strides = array<i32>} : memref<256x1024xf32, #tpu.memory_space<vmem>>, vector<256x1024xf32>,
    return
  }
  func.func @transform_0(%arg0: i32) -> (i32, i32) {
    %c0_i32 = arith.constant 0 : i32
    %c0_i32_0 = arith.constant 0 : i32
    return %arg0, %c0_i32 : i32, i32
  }
  func.func @transform_1(%arg0: i32) -> (i32, i32) {
    %c0_i32 = arith.constant 0 : i32
    %c0_i32_0 = arith.constant 0 : i32
    %c0_i32_1 = arith.constant 0 : i32
    return %c0_i32, %c0_i32_0 : i32, i32
  }
  func.func @transform_2(%arg0: i32) -> (i32, i32) {
    %c0_i32 = arith.constant 0 : i32
    %c0_i32_0 = arith.constant 0 : i32
    return %arg0, %c0_i32 : i32, i32
  }
  func.func @transform_3(%arg0: i32) -> (i32, i32) {
    %c0_i32 = arith.constant 0 : i32
    %c0_i32_0 = arith.constant 0 : i32
    %c0_i32_1 = arith.constant 0 : i32
    return %c0_i32, %c0_i32_0 : i32, i32
  }
  func.func @transform_4(%arg0: i32) -> (i32, i32) {
    %c0_i32 = arith.constant 0 : i32
    %c0_i32_0 = arith.constant 0 : i32
    %c0_i32_1 = arith.constant 0 : i32
    return %c0_i32, %c0_i32_0 : i32, i32
  }
  func.func @transform_5(%arg0: i32) -> (i32, i32) {
    %c0_i32 = arith.constant 0 : i32
    %c0_i32_0 = arith.constant 0 : i32
    %c0_i32_1 = arith.constant 0 : i32
    return %c0_i32, %c0_i32_0 : i32, i32
  }
  func.func @transform_6(%arg0: i32) -> (i32, i32) {
    %c0_i32 = arith.constant 0 : i32
    %c0_i32_0 = arith.constant 0 : i32
    %c0_i32_1 = arith.constant 0 : i32
    return %c0_i32, %c0_i32_0 : i32, i32
  }
  func.func @transform_7(%arg0: i32) -> (i32, i32) {
    %c0_i32 = arith.constant 0 : i32
    %c0_i32_0 = arith.constant 0 : i32
    return %arg0, %c0_i32 : i32, i32
  }
  func.func @transform_8(%arg0: i32) -> (i32, i32) {
    %c0_i32 = arith.constant 0 : i32
    %c0_i32_0 = arith.constant 0 : i32
    return %arg0, %c0_i32 : i32, i32
  }
  func.func @transform_9(%arg0: i32) -> (i32, i32) {
    %c0_i32 = arith.constant 0 : i32
    %c0_i32_0 = arith.constant 0 : i32
    return %arg0, %c0_i32 : i32, i32
  }
  func.func @transform_10(%arg0: i32) -> (i32, i32) {
    %c0_i32 = arith.constant 0 : i32
    %c0_i32_0 = arith.constant 0 : i32
    return %arg0, %c0_i32 : i32, i32
  }
  func.func @transform_11(%arg0: i32) -> (i32, i32) {
    %c0_i32 = arith.constant 0 : i32
    %c0_i32_0 = arith.constant 0 : i32
    return %arg0, %c0_i32 : i32, i32
  }
}

module attributes {stable_mosaic.version = 14 : i64} {
  func.func @_attn_body(%arg0: i32, %arg1: i32, %arg2: memref<256x128xf32, #tpu.memory_space<vmem>>, %arg3: memref<2048x128xf32, #tpu.memory_space<vmem>>, %arg4: memref<2048x128xf32, #tpu.memory_space<vmem>>, %arg5: memref<256x32xf32, #tpu.memory_space<vmem>>, %arg6: memref<256x32xf32, #tpu.memory_space<vmem>>, %arg7: memref<2048x32xf32, #tpu.memory_space<vmem>>, %arg8: memref<2048x32xf32, #tpu.memory_space<vmem>>, %arg9: memref<256x128xf32, #tpu.memory_space<vmem>>) attributes {dimension_semantics = [#tpu.dimension_semantics<arbitrary>, #tpu.dimension_semantics<arbitrary>], iteration_bounds = array<i64: 8, 8>, scalar_prefetch = 0 : i64, scratch_operands = 0 : i64, tpu.core_type = #tpu.core_type<tc>, window_params = [{transform_indices = @transform_0, window_bounds = array<i64: 256, 128>}, {transform_indices = @transform_1, window_bounds = array<i64: 2048, 128>}, {transform_indices = @transform_2, window_bounds = array<i64: 2048, 128>}, {transform_indices = @transform_3, window_bounds = array<i64: 256, 32>}, {transform_indices = @transform_4, window_bounds = array<i64: 256, 32>}, {pipeline_mode = #tpu.pipeline_mode<synchronous>, transform_indices = @transform_5, window_bounds = array<i64: 2048, 32>}, {pipeline_mode = #tpu.pipeline_mode<synchronous>, transform_indices = @transform_6, window_bounds = array<i64: 2048, 32>}, {transform_indices = @transform_7, window_bounds = array<i64: 256, 128>}]} {
    %get3A = arith.constant 0 : index
    %get3A_0 = arith.constant 0 : index
    %get3A_1 = vector.load %arg2[%get3A, %get3A_0] : memref<256x128xf32, #tpu.memory_space<vmem>>, vector<256x128xf32>
    %get3A_2 = arith.constant 0 : index
    %get3A_3 = arith.constant 0 : index
    %get3A_4 = vector.load %arg5[%get3A_2, %get3A_3] : memref<256x32xf32, #tpu.memory_space<vmem>>, vector<256x32xf32>
    %get3A_5 = arith.constant 0 : index
    %get3A_6 = arith.constant 0 : index
    %get3A_7 = vector.load %arg6[%get3A_5, %get3A_6] : memref<256x32xf32, #tpu.memory_space<vmem>>, vector<256x32xf32>
    %jit3A = arith.constant 2 : i32
    %div3A = arith.divsi %arg0, %jit3A : i32
    %sign3A = arith.constant 0 : i32
    %sign3A_8 = arith.cmpi sgt, %arg0, %sign3A : i32
    %sign3A_9 = arith.extui %sign3A_8 : i1 to i32
    %sign3A_10 = arith.constant 0 : i32
    %sign3A_11 = arith.cmpi slt, %arg0, %sign3A_10 : i32
    %sign3A_12 = arith.extui %sign3A_11 : i1 to i32
    %sign3A_13 = arith.subi %sign3A_9, %sign3A_12 : i32
    %sign3A_14 = arith.constant 0 : i32
    %sign3A_15 = arith.cmpi sgt, %jit3A, %sign3A_14 : i32
    %sign3A_16 = arith.extui %sign3A_15 : i1 to i32
    %sign3A_17 = arith.constant 0 : i32
    %sign3A_18 = arith.cmpi slt, %jit3A, %sign3A_17 : i32
    %sign3A_19 = arith.extui %sign3A_18 : i1 to i32
    %sign3A_20 = arith.subi %sign3A_16, %sign3A_19 : i32
    %ne3A = arith.cmpi ne, %sign3A_13, %sign3A_20 : i32
    %rem3A = arith.remsi %arg0, %jit3A : i32
    %ne3A_21 = arith.constant 0 : i32
    %ne3A_22 = arith.cmpi ne, %rem3A, %ne3A_21 : i32
    %and3A = arith.andi %ne3A, %ne3A_22 : i1
    %sub3A = arith.constant 1 : i32
    %sub3A_23 = arith.subi %div3A, %sub3A : i32
    %select_n3A = arith.select %and3A, %sub3A_23, %div3A : i32
    %jit3A_24 = arith.constant 2 : i32
    %eq3A = arith.constant 0 : i32
    %eq3A_25 = arith.cmpi eq, %jit3A_24, %eq3A : i32
    %jit3A_26 = arith.constant 1 : i32
    %select_n3A_27 = arith.select %eq3A_25, %jit3A_26, %jit3A_24 : i32
    %rem3A_28 = arith.remsi %select_n3A, %select_n3A_27 : i32
    %ne3A_29 = arith.constant 0 : i32
    %ne3A_30 = arith.cmpi ne, %rem3A_28, %ne3A_29 : i32
    %lt3A = arith.constant 0 : i32
    %lt3A_31 = arith.cmpi slt, %rem3A_28, %lt3A : i32
    %lt3A_32 = arith.constant 0 : i32
    %lt3A_33 = arith.cmpi slt, %select_n3A_27, %lt3A_32 : i32
    %ne3A_34 = arith.xori %lt3A_31, %lt3A_33 : i1
    %and3A_35 = arith.andi %ne3A_34, %ne3A_30 : i1
    %add3A = arith.addi %rem3A_28, %select_n3A_27 : i32
    %select_n3A_36 = arith.select %and3A_35, %add3A, %rem3A_28 : i32
    %get3A_37 = arith.constant 0 : index
    %get3A_38 = arith.constant 0 : index
    %get3A_39 = vector.load %arg3[%get3A_37, %get3A_38] : memref<2048x128xf32, #tpu.memory_space<vmem>>, vector<2048x128xf32>
    %get3A_40 = arith.constant 0 : index
    %get3A_41 = arith.constant 0 : index
    %get3A_42 = vector.load %arg4[%get3A_40, %get3A_41] : memref<2048x128xf32, #tpu.memory_space<vmem>>, vector<2048x128xf32>
    %eq3A_43 = arith.constant 0 : i32
    %eq3A_44 = arith.cmpi eq, %select_n3A_36, %eq3A_43 : i32
    %slice3A = vector.extract_strided_slice %get3A_39 {offsets = [0, 0], sizes = [2048, 64], strides = [1, 1]} : vector<2048x128xf32> to vector<2048x64xf32>
    %slice3A_45 = vector.extract_strided_slice %get3A_39 {offsets = [0, 64], sizes = [2048, 64], strides = [1, 1]} : vector<2048x128xf32> to vector<2048x64xf32>
    %select_n3A_46 = arith.select %eq3A_44, %slice3A, %slice3A_45 : vector<2048x64xf32>
    %eq3A_47 = arith.constant 0 : i32
    %eq3A_48 = arith.cmpi eq, %select_n3A_36, %eq3A_47 : i32
    %slice3A_49 = vector.extract_strided_slice %get3A_42 {offsets = [0, 0], sizes = [2048, 64], strides = [1, 1]} : vector<2048x128xf32> to vector<2048x64xf32>
    %slice3A_50 = vector.extract_strided_slice %get3A_42 {offsets = [0, 64], sizes = [2048, 64], strides = [1, 1]} : vector<2048x128xf32> to vector<2048x64xf32>
    %select_n3A_51 = arith.select %eq3A_48, %slice3A_49, %slice3A_50 : vector<2048x64xf32>
    %get3A_52 = arith.constant 0 : index
    %get3A_53 = arith.constant 0 : index
    %get3A_54 = vector.load %arg7[%get3A_52, %get3A_53] : memref<2048x32xf32, #tpu.memory_space<vmem>>, vector<2048x32xf32>
    %get3A_55 = arith.constant 0 : index
    %get3A_56 = arith.constant 0 : index
    %get3A_57 = vector.load %arg8[%get3A_55, %get3A_56] : memref<2048x32xf32, #tpu.memory_space<vmem>>, vector<2048x32xf32>
    %slice3A_58 = vector.extract_strided_slice %select_n3A_46 {offsets = [0, 0], sizes = [2048, 32], strides = [1, 1]} : vector<2048x64xf32> to vector<2048x32xf32>
    %slice3A_59 = vector.extract_strided_slice %select_n3A_46 {offsets = [0, 32], sizes = [2048, 32], strides = [1, 1]} : vector<2048x64xf32> to vector<2048x32xf32>
    %mul3A = arith.mulf %slice3A_58, %get3A_54 : vector<2048x32xf32>
    %mul3A_60 = arith.mulf %slice3A_59, %get3A_57 : vector<2048x32xf32>
    %sub3A_61 = arith.subf %mul3A, %mul3A_60 : vector<2048x32xf32>
    %mul3A_62 = arith.mulf %slice3A_59, %get3A_54 : vector<2048x32xf32>
    %mul3A_63 = arith.mulf %slice3A_58, %get3A_57 : vector<2048x32xf32>
    %add3A_64 = arith.addf %mul3A_62, %mul3A_63 : vector<2048x32xf32>
    %concatenate3A = tpu.concatenate %sub3A_61, %add3A_64 in 1 : vector<2048x32xf32>, vector<2048x32xf32> -> vector<2048x64xf32>
    %mul3A_65 = arith.constant 256 : i32
    %mul3A_66 = arith.muli %arg1, %mul3A_65 : i32
    %iota3A = tpu.iota {dimensions = array<i32: 0>} : vector<256x2048xi32>
    %add3A_67 = vector.broadcast %mul3A_66 : i32 to vector<256x2048xi32>
    %add3A_68 = arith.addi %add3A_67, %iota3A : vector<256x2048xi32>
    %iota3A_69 = tpu.iota {dimensions = array<i32: 1>} : vector<256x2048xi32>
    %slice3A_70 = vector.extract_strided_slice %get3A_1 {offsets = [0, 0], sizes = [256, 64], strides = [1, 1]} : vector<256x128xf32> to vector<256x64xf32>
    %slice3A_71 = vector.extract_strided_slice %slice3A_70 {offsets = [0, 0], sizes = [256, 32], strides = [1, 1]} : vector<256x64xf32> to vector<256x32xf32>
    %slice3A_72 = vector.extract_strided_slice %slice3A_70 {offsets = [0, 32], sizes = [256, 32], strides = [1, 1]} : vector<256x64xf32> to vector<256x32xf32>
    %mul3A_73 = arith.mulf %slice3A_71, %get3A_4 : vector<256x32xf32>
    %mul3A_74 = arith.mulf %slice3A_72, %get3A_7 : vector<256x32xf32>
    %sub3A_75 = arith.subf %mul3A_73, %mul3A_74 : vector<256x32xf32>
    %mul3A_76 = arith.mulf %slice3A_72, %get3A_4 : vector<256x32xf32>
    %mul3A_77 = arith.mulf %slice3A_71, %get3A_7 : vector<256x32xf32>
    %add3A_78 = arith.addf %mul3A_76, %mul3A_77 : vector<256x32xf32>
    %concatenate3A_79 = tpu.concatenate %sub3A_75, %add3A_78 in 1 : vector<256x32xf32>, vector<256x32xf32> -> vector<256x64xf32>
    %dot_general3A = arith.constant dense<0.000000e+00> : vector<256x2048xf32>
    %dot_general3A_80 = tpu.matmul %concatenate3A_79, %concatenate3A, %dot_general3A {dimension_numbers = #tpu.dot_dimension_numbers<[1], [1], [0], [0], [0, 0, 1, 0], [], []>, transpose_lhs_hint = false} : vector<256x64xf32>, vector<2048x64xf32>, vector<256x2048xf32> -> vector<256x2048xf32>
    %mul3A_81 = arith.constant 1.250000e-01 : f32
    %mul3A_82 = vector.broadcast %mul3A_81 : f32 to vector<256x2048xf32>
    %mul3A_83 = arith.mulf %dot_general3A_80, %mul3A_82 : vector<256x2048xf32>
    %le3A = arith.cmpi sle, %iota3A_69, %add3A_68 : vector<256x2048xi32>
    %jit3A_84 = arith.constant -1.000000e+09 : f32
    %broadcast_in_dim3A = vector.broadcast %jit3A_84 : f32 to vector<256x2048xf32>
    %select_n3A_85 = arith.select %le3A, %mul3A_83, %broadcast_in_dim3A : vector<256x2048xi1>, vector<256x2048xf32>
    %reduce_max3A = arith.constant dense<0xFF800000> : vector<256xf32>
    %reduce_max3A_86 = vector.multi_reduction <maximumf>, %select_n3A_85, %reduce_max3A [1] : vector<256x2048xf32> to vector<256xf32>
    %broadcast_in_dim3A_87 = vector.shape_cast %reduce_max3A_86 : vector<256xf32> to vector<256x1xf32>
    %sub3A_88 = vector.broadcast %broadcast_in_dim3A_87 : vector<256x1xf32> to vector<256x2048xf32>
    %sub3A_89 = arith.subf %select_n3A_85, %sub3A_88 : vector<256x2048xf32>
    %exp3A = math.exp %sub3A_89 : vector<256x2048xf32>
    %reduce_sum3A = arith.constant dense<0.000000e+00> : vector<256xf32>
    %reduce_sum3A_90 = vector.multi_reduction <add>, %exp3A, %reduce_sum3A [1] : vector<256x2048xf32> to vector<256xf32>
    %broadcast_in_dim3A_91 = vector.shape_cast %reduce_sum3A_90 : vector<256xf32> to vector<256x1xf32>
    %div3A_92 = vector.broadcast %broadcast_in_dim3A_91 : vector<256x1xf32> to vector<256x2048xf32>
    %div3A_93 = arith.divf %exp3A, %div3A_92 : vector<256x2048xf32>
    %dot_general3A_94 = arith.constant dense<0.000000e+00> : vector<256x64xf32>
    %dot_general3A_95 = tpu.matmul %div3A_93, %select_n3A_51, %dot_general3A_94 {dimension_numbers = #tpu.dot_dimension_numbers<[1], [0], [0], [1], [0, 0, 1, 1], [], []>, transpose_lhs_hint = false} : vector<256x2048xf32>, vector<2048x64xf32>, vector<256x64xf32> -> vector<256x64xf32>
    %slice3A_96 = vector.extract_strided_slice %get3A_1 {offsets = [0, 64], sizes = [256, 64], strides = [1, 1]} : vector<256x128xf32> to vector<256x64xf32>
    %slice3A_97 = vector.extract_strided_slice %slice3A_96 {offsets = [0, 0], sizes = [256, 32], strides = [1, 1]} : vector<256x64xf32> to vector<256x32xf32>
    %slice3A_98 = vector.extract_strided_slice %slice3A_96 {offsets = [0, 32], sizes = [256, 32], strides = [1, 1]} : vector<256x64xf32> to vector<256x32xf32>
    %mul3A_99 = arith.mulf %slice3A_97, %get3A_4 : vector<256x32xf32>
    %mul3A_100 = arith.mulf %slice3A_98, %get3A_7 : vector<256x32xf32>
    %sub3A_101 = arith.subf %mul3A_99, %mul3A_100 : vector<256x32xf32>
    %mul3A_102 = arith.mulf %slice3A_98, %get3A_4 : vector<256x32xf32>
    %mul3A_103 = arith.mulf %slice3A_97, %get3A_7 : vector<256x32xf32>
    %add3A_104 = arith.addf %mul3A_102, %mul3A_103 : vector<256x32xf32>
    %concatenate3A_105 = tpu.concatenate %sub3A_101, %add3A_104 in 1 : vector<256x32xf32>, vector<256x32xf32> -> vector<256x64xf32>
    %dot_general3A_106 = arith.constant dense<0.000000e+00> : vector<256x2048xf32>
    %dot_general3A_107 = tpu.matmul %concatenate3A_105, %concatenate3A, %dot_general3A_106 {dimension_numbers = #tpu.dot_dimension_numbers<[1], [1], [0], [0], [0, 0, 1, 0], [], []>, transpose_lhs_hint = false} : vector<256x64xf32>, vector<2048x64xf32>, vector<256x2048xf32> -> vector<256x2048xf32>
    %mul3A_108 = arith.constant 1.250000e-01 : f32
    %mul3A_109 = vector.broadcast %mul3A_108 : f32 to vector<256x2048xf32>
    %mul3A_110 = arith.mulf %dot_general3A_107, %mul3A_109 : vector<256x2048xf32>
    %le3A_111 = arith.cmpi sle, %iota3A_69, %add3A_68 : vector<256x2048xi32>
    %jit3A_112 = arith.constant -1.000000e+09 : f32
    %broadcast_in_dim3A_113 = vector.broadcast %jit3A_112 : f32 to vector<256x2048xf32>
    %select_n3A_114 = arith.select %le3A_111, %mul3A_110, %broadcast_in_dim3A_113 : vector<256x2048xi1>, vector<256x2048xf32>
    %reduce_max3A_115 = arith.constant dense<0xFF800000> : vector<256xf32>
    %reduce_max3A_116 = vector.multi_reduction <maximumf>, %select_n3A_114, %reduce_max3A_115 [1] : vector<256x2048xf32> to vector<256xf32>
    %broadcast_in_dim3A_117 = vector.shape_cast %reduce_max3A_116 : vector<256xf32> to vector<256x1xf32>
    %sub3A_118 = vector.broadcast %broadcast_in_dim3A_117 : vector<256x1xf32> to vector<256x2048xf32>
    %sub3A_119 = arith.subf %select_n3A_114, %sub3A_118 : vector<256x2048xf32>
    %exp3A_120 = math.exp %sub3A_119 : vector<256x2048xf32>
    %reduce_sum3A_121 = arith.constant dense<0.000000e+00> : vector<256xf32>
    %reduce_sum3A_122 = vector.multi_reduction <add>, %exp3A_120, %reduce_sum3A_121 [1] : vector<256x2048xf32> to vector<256xf32>
    %broadcast_in_dim3A_123 = vector.shape_cast %reduce_sum3A_122 : vector<256xf32> to vector<256x1xf32>
    %div3A_124 = vector.broadcast %broadcast_in_dim3A_123 : vector<256x1xf32> to vector<256x2048xf32>
    %div3A_125 = arith.divf %exp3A_120, %div3A_124 : vector<256x2048xf32>
    %dot_general3A_126 = arith.constant dense<0.000000e+00> : vector<256x64xf32>
    %dot_general3A_127 = tpu.matmul %div3A_125, %select_n3A_51, %dot_general3A_126 {dimension_numbers = #tpu.dot_dimension_numbers<[1], [0], [0], [1], [0, 0, 1, 1], [], []>, transpose_lhs_hint = false} : vector<256x2048xf32>, vector<2048x64xf32>, vector<256x64xf32> -> vector<256x64xf32>
    %concatenate3A_128 = tpu.concatenate %dot_general3A_95, %dot_general3A_127 in 1 : vector<256x64xf32>, vector<256x64xf32> -> vector<256x128xf32>
    %swap3A = arith.constant 0 : index
    %swap3A_129 = arith.constant 0 : index
    %swap3A_130 = vector.load %arg9[%swap3A, %swap3A_129] : memref<256x128xf32, #tpu.memory_space<vmem>>, vector<256x128xf32>
    tpu.vector_store %arg9[%swap3A, %swap3A_129], %concatenate3A_128 {strides = array<i32>} : memref<256x128xf32, #tpu.memory_space<vmem>>, vector<256x128xf32>,
    return
  }
  func.func @transform_0(%arg0: i32, %arg1: i32) -> (i32, i32) {
    %c0_i32 = arith.constant 0 : i32
    return %arg1, %arg0 : i32, i32
  }
  func.func @transform_1(%arg0: i32, %arg1: i32) -> (i32, i32) {
    %jit3A = arith.constant 4 : i32
    %div3A = arith.divsi %arg0, %jit3A : i32
    %sign3A = arith.constant 0 : i32
    %sign3A_0 = arith.cmpi sgt, %arg0, %sign3A : i32
    %sign3A_1 = arith.extui %sign3A_0 : i1 to i32
    %sign3A_2 = arith.constant 0 : i32
    %sign3A_3 = arith.cmpi slt, %arg0, %sign3A_2 : i32
    %sign3A_4 = arith.extui %sign3A_3 : i1 to i32
    %sign3A_5 = arith.subi %sign3A_1, %sign3A_4 : i32
    %sign3A_6 = arith.constant 0 : i32
    %sign3A_7 = arith.cmpi sgt, %jit3A, %sign3A_6 : i32
    %sign3A_8 = arith.extui %sign3A_7 : i1 to i32
    %sign3A_9 = arith.constant 0 : i32
    %sign3A_10 = arith.cmpi slt, %jit3A, %sign3A_9 : i32
    %sign3A_11 = arith.extui %sign3A_10 : i1 to i32
    %sign3A_12 = arith.subi %sign3A_8, %sign3A_11 : i32
    %ne3A = arith.cmpi ne, %sign3A_5, %sign3A_12 : i32
    %rem3A = arith.remsi %arg0, %jit3A : i32
    %ne3A_13 = arith.constant 0 : i32
    %ne3A_14 = arith.cmpi ne, %rem3A, %ne3A_13 : i32
    %and3A = arith.andi %ne3A, %ne3A_14 : i1
    %sub3A = arith.constant 1 : i32
    %sub3A_15 = arith.subi %div3A, %sub3A : i32
    %select_n3A = arith.select %and3A, %sub3A_15, %div3A : i32
    %add3A = arith.constant 8 : i32
    %add3A_16 = arith.addi %add3A, %select_n3A : i32
    %c0_i32 = arith.constant 0 : i32
    %c0_i32_17 = arith.constant 0 : i32
    return %c0_i32, %add3A_16 : i32, i32
  }
  func.func @transform_2(%arg0: i32, %arg1: i32) -> (i32, i32) {
    %jit3A = arith.constant 4 : i32
    %div3A = arith.divsi %arg0, %jit3A : i32
    %sign3A = arith.constant 0 : i32
    %sign3A_0 = arith.cmpi sgt, %arg0, %sign3A : i32
    %sign3A_1 = arith.extui %sign3A_0 : i1 to i32
    %sign3A_2 = arith.constant 0 : i32
    %sign3A_3 = arith.cmpi slt, %arg0, %sign3A_2 : i32
    %sign3A_4 = arith.extui %sign3A_3 : i1 to i32
    %sign3A_5 = arith.subi %sign3A_1, %sign3A_4 : i32
    %sign3A_6 = arith.constant 0 : i32
    %sign3A_7 = arith.cmpi sgt, %jit3A, %sign3A_6 : i32
    %sign3A_8 = arith.extui %sign3A_7 : i1 to i32
    %sign3A_9 = arith.constant 0 : i32
    %sign3A_10 = arith.cmpi slt, %jit3A, %sign3A_9 : i32
    %sign3A_11 = arith.extui %sign3A_10 : i1 to i32
    %sign3A_12 = arith.subi %sign3A_8, %sign3A_11 : i32
    %ne3A = arith.cmpi ne, %sign3A_5, %sign3A_12 : i32
    %rem3A = arith.remsi %arg0, %jit3A : i32
    %ne3A_13 = arith.constant 0 : i32
    %ne3A_14 = arith.cmpi ne, %rem3A, %ne3A_13 : i32
    %and3A = arith.andi %ne3A, %ne3A_14 : i1
    %sub3A = arith.constant 1 : i32
    %sub3A_15 = arith.subi %div3A, %sub3A : i32
    %select_n3A = arith.select %and3A, %sub3A_15, %div3A : i32
    %add3A = arith.constant 10 : i32
    %add3A_16 = arith.addi %add3A, %select_n3A : i32
    %c0_i32 = arith.constant 0 : i32
    %c0_i32_17 = arith.constant 0 : i32
    return %c0_i32, %add3A_16 : i32, i32
  }
  func.func @transform_3(%arg0: i32, %arg1: i32) -> (i32, i32) {
    %c0_i32 = arith.constant 0 : i32
    %c0_i32_0 = arith.constant 0 : i32
    return %arg1, %c0_i32 : i32, i32
  }
  func.func @transform_4(%arg0: i32, %arg1: i32) -> (i32, i32) {
    %c0_i32 = arith.constant 0 : i32
    %c0_i32_0 = arith.constant 0 : i32
    return %arg1, %c0_i32 : i32, i32
  }
  func.func @transform_5(%arg0: i32, %arg1: i32) -> (i32, i32) {
    %c0_i32 = arith.constant 0 : i32
    %c0_i32_0 = arith.constant 0 : i32
    %c0_i32_1 = arith.constant 0 : i32
    return %c0_i32, %c0_i32_0 : i32, i32
  }
  func.func @transform_6(%arg0: i32, %arg1: i32) -> (i32, i32) {
    %c0_i32 = arith.constant 0 : i32
    %c0_i32_0 = arith.constant 0 : i32
    %c0_i32_1 = arith.constant 0 : i32
    return %c0_i32, %c0_i32_0 : i32, i32
  }
  func.func @transform_7(%arg0: i32, %arg1: i32) -> (i32, i32) {
    %c0_i32 = arith.constant 0 : i32
    return %arg1, %arg0 : i32, i32
  }
}

module attributes {stable_mosaic.version = 14 : i64} {
  func.func @_meta_body(%arg0: i32, %arg1: memref<4096x1xi32, #tpu.memory_space<vmem>>, %arg2: memref<4096x1xi32, #tpu.memory_space<vmem>>, %arg3: memref<1x128xf32, #tpu.memory_space<vmem>>, %arg4: memref<4096x128xf32, #tpu.memory_space<vmem>>) attributes {dimension_semantics = [#tpu.dimension_semantics<arbitrary>], iteration_bounds = array<i64: 1>, scalar_prefetch = 0 : i64, scratch_operands = 1 : i64, tpu.core_type = #tpu.core_type<tc>, window_params = [{pipeline_mode = #tpu.pipeline_mode<synchronous>, transform_indices = @transform_0, window_bounds = array<i64: 4096, 1>}, {pipeline_mode = #tpu.pipeline_mode<synchronous>, transform_indices = @transform_1, window_bounds = array<i64: 4096, 1>}, {pipeline_mode = #tpu.pipeline_mode<synchronous>, transform_indices = @transform_2, window_bounds = array<i64: 1, 128>}]} {
    %iota3A = tpu.iota {dimensions = array<i32: 0>} : vector<256x256xi32>
    %iota3A_0 = tpu.iota {dimensions = array<i32: 1>} : vector<256x256xi32>
    %ge3A = arith.cmpi sge, %iota3A, %iota3A_0 : vector<256x256xi32>
    %convert_element_type3A = arith.extui %ge3A : vector<256x256xi1> to vector<256x256xi32>
    %convert_element_type3A_1 = arith.sitofp %convert_element_type3A : vector<256x256xi32> to vector<256x256xf32>
    %iota3A_2 = tpu.iota {dimensions = array<i32: 1>} : vector<256x128xi32>
    %broadcast_in_dim3A = arith.constant 0.000000e+00 : f32
    %broadcast_in_dim3A_3 = vector.broadcast %broadcast_in_dim3A : f32 to vector<1x128xf32>
    %get3A = arith.constant 0 : index
    %get3A_4 = arith.constant 0 : index
    %get3A_5 = vector.load %arg1[%get3A, %get3A_4] : memref<4096x1xi32, #tpu.memory_space<vmem>>, vector<256x1xi32>
    %eq3A = vector.broadcast %get3A_5 : vector<256x1xi32> to vector<256x128xi32>
    %eq3A_6 = arith.cmpi eq, %eq3A, %iota3A_2 : vector<256x128xi32>
    %convert_element_type3A_7 = arith.extui %eq3A_6 : vector<256x128xi1> to vector<256x128xi32>
    %convert_element_type3A_8 = arith.sitofp %convert_element_type3A_7 : vector<256x128xi32> to vector<256x128xf32>
    %dot_general3A = arith.constant dense<0.000000e+00> : vector<256x128xf32>
    %dot_general3A_9 = tpu.matmul %convert_element_type3A_1, %convert_element_type3A_8, %dot_general3A {dimension_numbers = #tpu.dot_dimension_numbers<[1], [0], [0], [1], [0, 0, 1, 1], [], []>, transpose_lhs_hint = false} : vector<256x256xf32>, vector<256x128xf32>, vector<256x128xf32> -> vector<256x128xf32>
    %add3A = vector.broadcast %broadcast_in_dim3A_3 : vector<1x128xf32> to vector<256x128xf32>
    %add3A_10 = arith.addf %dot_general3A_9, %add3A : vector<256x128xf32>
    %swap3A = arith.constant 0 : index
    %swap3A_11 = arith.constant 0 : index
    %swap3A_12 = vector.load %arg4[%swap3A, %swap3A_11] : memref<4096x128xf32, #tpu.memory_space<vmem>>, vector<256x128xf32>
    tpu.vector_store %arg4[%swap3A, %swap3A_11], %add3A_10 {strides = array<i32>} : memref<4096x128xf32, #tpu.memory_space<vmem>>, vector<256x128xf32>,
    %reduce_sum3A = arith.constant dense<0.000000e+00> : vector<128xf32>
    %reduce_sum3A_13 = vector.multi_reduction <add>, %convert_element_type3A_8, %reduce_sum3A [0] : vector<256x128xf32> to vector<128xf32>
    %broadcast_in_dim3A_14 = vector.shape_cast %reduce_sum3A_13 : vector<128xf32> to vector<1x128xf32>
    %add3A_15 = arith.addf %broadcast_in_dim3A_3, %broadcast_in_dim3A_14 : vector<1x128xf32>
    %get3A_16 = arith.constant 256 : index
    %get3A_17 = arith.constant 0 : index
    %get3A_18 = vector.load %arg1[%get3A_16, %get3A_17] : memref<4096x1xi32, #tpu.memory_space<vmem>>, vector<256x1xi32>
    %eq3A_19 = vector.broadcast %get3A_18 : vector<256x1xi32> to vector<256x128xi32>
    %eq3A_20 = arith.cmpi eq, %eq3A_19, %iota3A_2 : vector<256x128xi32>
    %convert_element_type3A_21 = arith.extui %eq3A_20 : vector<256x128xi1> to vector<256x128xi32>
    %convert_element_type3A_22 = arith.sitofp %convert_element_type3A_21 : vector<256x128xi32> to vector<256x128xf32>
    %dot_general3A_23 = arith.constant dense<0.000000e+00> : vector<256x128xf32>
    %dot_general3A_24 = tpu.matmul %convert_element_type3A_1, %convert_element_type3A_22, %dot_general3A_23 {dimension_numbers = #tpu.dot_dimension_numbers<[1], [0], [0], [1], [0, 0, 1, 1], [], []>, transpose_lhs_hint = false} : vector<256x256xf32>, vector<256x128xf32>, vector<256x128xf32> -> vector<256x128xf32>
    %add3A_25 = vector.broadcast %add3A_15 : vector<1x128xf32> to vector<256x128xf32>
    %add3A_26 = arith.addf %dot_general3A_24, %add3A_25 : vector<256x128xf32>
    %swap3A_27 = arith.constant 256 : index
    %swap3A_28 = arith.constant 0 : index
    %swap3A_29 = vector.load %arg4[%swap3A_27, %swap3A_28] : memref<4096x128xf32, #tpu.memory_space<vmem>>, vector<256x128xf32>
    tpu.vector_store %arg4[%swap3A_27, %swap3A_28], %add3A_26 {strides = array<i32>} : memref<4096x128xf32, #tpu.memory_space<vmem>>, vector<256x128xf32>,
    %reduce_sum3A_30 = arith.constant dense<0.000000e+00> : vector<128xf32>
    %reduce_sum3A_31 = vector.multi_reduction <add>, %convert_element_type3A_22, %reduce_sum3A_30 [0] : vector<256x128xf32> to vector<128xf32>
    %broadcast_in_dim3A_32 = vector.shape_cast %reduce_sum3A_31 : vector<128xf32> to vector<1x128xf32>
    %add3A_33 = arith.addf %add3A_15, %broadcast_in_dim3A_32 : vector<1x128xf32>
    %get3A_34 = arith.constant 512 : index
    %get3A_35 = arith.constant 0 : index
    %get3A_36 = vector.load %arg1[%get3A_34, %get3A_35] : memref<4096x1xi32, #tpu.memory_space<vmem>>, vector<256x1xi32>
    %eq3A_37 = vector.broadcast %get3A_36 : vector<256x1xi32> to vector<256x128xi32>
    %eq3A_38 = arith.cmpi eq, %eq3A_37, %iota3A_2 : vector<256x128xi32>
    %convert_element_type3A_39 = arith.extui %eq3A_38 : vector<256x128xi1> to vector<256x128xi32>
    %convert_element_type3A_40 = arith.sitofp %convert_element_type3A_39 : vector<256x128xi32> to vector<256x128xf32>
    %dot_general3A_41 = arith.constant dense<0.000000e+00> : vector<256x128xf32>
    %dot_general3A_42 = tpu.matmul %convert_element_type3A_1, %convert_element_type3A_40, %dot_general3A_41 {dimension_numbers = #tpu.dot_dimension_numbers<[1], [0], [0], [1], [0, 0, 1, 1], [], []>, transpose_lhs_hint = false} : vector<256x256xf32>, vector<256x128xf32>, vector<256x128xf32> -> vector<256x128xf32>
    %add3A_43 = vector.broadcast %add3A_33 : vector<1x128xf32> to vector<256x128xf32>
    %add3A_44 = arith.addf %dot_general3A_42, %add3A_43 : vector<256x128xf32>
    %swap3A_45 = arith.constant 512 : index
    %swap3A_46 = arith.constant 0 : index
    %swap3A_47 = vector.load %arg4[%swap3A_45, %swap3A_46] : memref<4096x128xf32, #tpu.memory_space<vmem>>, vector<256x128xf32>
    tpu.vector_store %arg4[%swap3A_45, %swap3A_46], %add3A_44 {strides = array<i32>} : memref<4096x128xf32, #tpu.memory_space<vmem>>, vector<256x128xf32>,
    %reduce_sum3A_48 = arith.constant dense<0.000000e+00> : vector<128xf32>
    %reduce_sum3A_49 = vector.multi_reduction <add>, %convert_element_type3A_40, %reduce_sum3A_48 [0] : vector<256x128xf32> to vector<128xf32>
    %broadcast_in_dim3A_50 = vector.shape_cast %reduce_sum3A_49 : vector<128xf32> to vector<1x128xf32>
    %add3A_51 = arith.addf %add3A_33, %broadcast_in_dim3A_50 : vector<1x128xf32>
    %get3A_52 = arith.constant 768 : index
    %get3A_53 = arith.constant 0 : index
    %get3A_54 = vector.load %arg1[%get3A_52, %get3A_53] : memref<4096x1xi32, #tpu.memory_space<vmem>>, vector<256x1xi32>
    %eq3A_55 = vector.broadcast %get3A_54 : vector<256x1xi32> to vector<256x128xi32>
    %eq3A_56 = arith.cmpi eq, %eq3A_55, %iota3A_2 : vector<256x128xi32>
    %convert_element_type3A_57 = arith.extui %eq3A_56 : vector<256x128xi1> to vector<256x128xi32>
    %convert_element_type3A_58 = arith.sitofp %convert_element_type3A_57 : vector<256x128xi32> to vector<256x128xf32>
    %dot_general3A_59 = arith.constant dense<0.000000e+00> : vector<256x128xf32>
    %dot_general3A_60 = tpu.matmul %convert_element_type3A_1, %convert_element_type3A_58, %dot_general3A_59 {dimension_numbers = #tpu.dot_dimension_numbers<[1], [0], [0], [1], [0, 0, 1, 1], [], []>, transpose_lhs_hint = false} : vector<256x256xf32>, vector<256x128xf32>, vector<256x128xf32> -> vector<256x128xf32>
    %add3A_61 = vector.broadcast %add3A_51 : vector<1x128xf32> to vector<256x128xf32>
    %add3A_62 = arith.addf %dot_general3A_60, %add3A_61 : vector<256x128xf32>
    %swap3A_63 = arith.constant 768 : index
    %swap3A_64 = arith.constant 0 : index
    %swap3A_65 = vector.load %arg4[%swap3A_63, %swap3A_64] : memref<4096x128xf32, #tpu.memory_space<vmem>>, vector<256x128xf32>
    tpu.vector_store %arg4[%swap3A_63, %swap3A_64], %add3A_62 {strides = array<i32>} : memref<4096x128xf32, #tpu.memory_space<vmem>>, vector<256x128xf32>,
    %reduce_sum3A_66 = arith.constant dense<0.000000e+00> : vector<128xf32>
    %reduce_sum3A_67 = vector.multi_reduction <add>, %convert_element_type3A_58, %reduce_sum3A_66 [0] : vector<256x128xf32> to vector<128xf32>
    %broadcast_in_dim3A_68 = vector.shape_cast %reduce_sum3A_67 : vector<128xf32> to vector<1x128xf32>
    %add3A_69 = arith.addf %add3A_51, %broadcast_in_dim3A_68 : vector<1x128xf32>
    %get3A_70 = arith.constant 1024 : index
    %get3A_71 = arith.constant 0 : index
    %get3A_72 = vector.load %arg1[%get3A_70, %get3A_71] : memref<4096x1xi32, #tpu.memory_space<vmem>>, vector<256x1xi32>
    %eq3A_73 = vector.broadcast %get3A_72 : vector<256x1xi32> to vector<256x128xi32>
    %eq3A_74 = arith.cmpi eq, %eq3A_73, %iota3A_2 : vector<256x128xi32>
    %convert_element_type3A_75 = arith.extui %eq3A_74 : vector<256x128xi1> to vector<256x128xi32>
    %convert_element_type3A_76 = arith.sitofp %convert_element_type3A_75 : vector<256x128xi32> to vector<256x128xf32>
    %dot_general3A_77 = arith.constant dense<0.000000e+00> : vector<256x128xf32>
    %dot_general3A_78 = tpu.matmul %convert_element_type3A_1, %convert_element_type3A_76, %dot_general3A_77 {dimension_numbers = #tpu.dot_dimension_numbers<[1], [0], [0], [1], [0, 0, 1, 1], [], []>, transpose_lhs_hint = false} : vector<256x256xf32>, vector<256x128xf32>, vector<256x128xf32> -> vector<256x128xf32>
    %add3A_79 = vector.broadcast %add3A_69 : vector<1x128xf32> to vector<256x128xf32>
    %add3A_80 = arith.addf %dot_general3A_78, %add3A_79 : vector<256x128xf32>
    %swap3A_81 = arith.constant 1024 : index
    %swap3A_82 = arith.constant 0 : index
    %swap3A_83 = vector.load %arg4[%swap3A_81, %swap3A_82] : memref<4096x128xf32, #tpu.memory_space<vmem>>, vector<256x128xf32>
    tpu.vector_store %arg4[%swap3A_81, %swap3A_82], %add3A_80 {strides = array<i32>} : memref<4096x128xf32, #tpu.memory_space<vmem>>, vector<256x128xf32>,
    %reduce_sum3A_84 = arith.constant dense<0.000000e+00> : vector<128xf32>
    %reduce_sum3A_85 = vector.multi_reduction <add>, %convert_element_type3A_76, %reduce_sum3A_84 [0] : vector<256x128xf32> to vector<128xf32>
    %broadcast_in_dim3A_86 = vector.shape_cast %reduce_sum3A_85 : vector<128xf32> to vector<1x128xf32>
    %add3A_87 = arith.addf %add3A_69, %broadcast_in_dim3A_86 : vector<1x128xf32>
    %get3A_88 = arith.constant 1280 : index
    %get3A_89 = arith.constant 0 : index
    %get3A_90 = vector.load %arg1[%get3A_88, %get3A_89] : memref<4096x1xi32, #tpu.memory_space<vmem>>, vector<256x1xi32>
    %eq3A_91 = vector.broadcast %get3A_90 : vector<256x1xi32> to vector<256x128xi32>
    %eq3A_92 = arith.cmpi eq, %eq3A_91, %iota3A_2 : vector<256x128xi32>
    %convert_element_type3A_93 = arith.extui %eq3A_92 : vector<256x128xi1> to vector<256x128xi32>
    %convert_element_type3A_94 = arith.sitofp %convert_element_type3A_93 : vector<256x128xi32> to vector<256x128xf32>
    %dot_general3A_95 = arith.constant dense<0.000000e+00> : vector<256x128xf32>
    %dot_general3A_96 = tpu.matmul %convert_element_type3A_1, %convert_element_type3A_94, %dot_general3A_95 {dimension_numbers = #tpu.dot_dimension_numbers<[1], [0], [0], [1], [0, 0, 1, 1], [], []>, transpose_lhs_hint = false} : vector<256x256xf32>, vector<256x128xf32>, vector<256x128xf32> -> vector<256x128xf32>
    %add3A_97 = vector.broadcast %add3A_87 : vector<1x128xf32> to vector<256x128xf32>
    %add3A_98 = arith.addf %dot_general3A_96, %add3A_97 : vector<256x128xf32>
    %swap3A_99 = arith.constant 1280 : index
    %swap3A_100 = arith.constant 0 : index
    %swap3A_101 = vector.load %arg4[%swap3A_99, %swap3A_100] : memref<4096x128xf32, #tpu.memory_space<vmem>>, vector<256x128xf32>
    tpu.vector_store %arg4[%swap3A_99, %swap3A_100], %add3A_98 {strides = array<i32>} : memref<4096x128xf32, #tpu.memory_space<vmem>>, vector<256x128xf32>,
    %reduce_sum3A_102 = arith.constant dense<0.000000e+00> : vector<128xf32>
    %reduce_sum3A_103 = vector.multi_reduction <add>, %convert_element_type3A_94, %reduce_sum3A_102 [0] : vector<256x128xf32> to vector<128xf32>
    %broadcast_in_dim3A_104 = vector.shape_cast %reduce_sum3A_103 : vector<128xf32> to vector<1x128xf32>
    %add3A_105 = arith.addf %add3A_87, %broadcast_in_dim3A_104 : vector<1x128xf32>
    %get3A_106 = arith.constant 1536 : index
    %get3A_107 = arith.constant 0 : index
    %get3A_108 = vector.load %arg1[%get3A_106, %get3A_107] : memref<4096x1xi32, #tpu.memory_space<vmem>>, vector<256x1xi32>
    %eq3A_109 = vector.broadcast %get3A_108 : vector<256x1xi32> to vector<256x128xi32>
    %eq3A_110 = arith.cmpi eq, %eq3A_109, %iota3A_2 : vector<256x128xi32>
    %convert_element_type3A_111 = arith.extui %eq3A_110 : vector<256x128xi1> to vector<256x128xi32>
    %convert_element_type3A_112 = arith.sitofp %convert_element_type3A_111 : vector<256x128xi32> to vector<256x128xf32>
    %dot_general3A_113 = arith.constant dense<0.000000e+00> : vector<256x128xf32>
    %dot_general3A_114 = tpu.matmul %convert_element_type3A_1, %convert_element_type3A_112, %dot_general3A_113 {dimension_numbers = #tpu.dot_dimension_numbers<[1], [0], [0], [1], [0, 0, 1, 1], [], []>, transpose_lhs_hint = false} : vector<256x256xf32>, vector<256x128xf32>, vector<256x128xf32> -> vector<256x128xf32>
    %add3A_115 = vector.broadcast %add3A_105 : vector<1x128xf32> to vector<256x128xf32>
    %add3A_116 = arith.addf %dot_general3A_114, %add3A_115 : vector<256x128xf32>
    %swap3A_117 = arith.constant 1536 : index
    %swap3A_118 = arith.constant 0 : index
    %swap3A_119 = vector.load %arg4[%swap3A_117, %swap3A_118] : memref<4096x128xf32, #tpu.memory_space<vmem>>, vector<256x128xf32>
    tpu.vector_store %arg4[%swap3A_117, %swap3A_118], %add3A_116 {strides = array<i32>} : memref<4096x128xf32, #tpu.memory_space<vmem>>, vector<256x128xf32>,
    %reduce_sum3A_120 = arith.constant dense<0.000000e+00> : vector<128xf32>
    %reduce_sum3A_121 = vector.multi_reduction <add>, %convert_element_type3A_112, %reduce_sum3A_120 [0] : vector<256x128xf32> to vector<128xf32>
    %broadcast_in_dim3A_122 = vector.shape_cast %reduce_sum3A_121 : vector<128xf32> to vector<1x128xf32>
    %add3A_123 = arith.addf %add3A_105, %broadcast_in_dim3A_122 : vector<1x128xf32>
    %get3A_124 = arith.constant 1792 : index
    %get3A_125 = arith.constant 0 : index
    %get3A_126 = vector.load %arg1[%get3A_124, %get3A_125] : memref<4096x1xi32, #tpu.memory_space<vmem>>, vector<256x1xi32>
    %eq3A_127 = vector.broadcast %get3A_126 : vector<256x1xi32> to vector<256x128xi32>
    %eq3A_128 = arith.cmpi eq, %eq3A_127, %iota3A_2 : vector<256x128xi32>
    %convert_element_type3A_129 = arith.extui %eq3A_128 : vector<256x128xi1> to vector<256x128xi32>
    %convert_element_type3A_130 = arith.sitofp %convert_element_type3A_129 : vector<256x128xi32> to vector<256x128xf32>
    %dot_general3A_131 = arith.constant dense<0.000000e+00> : vector<256x128xf32>
    %dot_general3A_132 = tpu.matmul %convert_element_type3A_1, %convert_element_type3A_130, %dot_general3A_131 {dimension_numbers = #tpu.dot_dimension_numbers<[1], [0], [0], [1], [0, 0, 1, 1], [], []>, transpose_lhs_hint = false} : vector<256x256xf32>, vector<256x128xf32>, vector<256x128xf32> -> vector<256x128xf32>
    %add3A_133 = vector.broadcast %add3A_123 : vector<1x128xf32> to vector<256x128xf32>
    %add3A_134 = arith.addf %dot_general3A_132, %add3A_133 : vector<256x128xf32>
    %swap3A_135 = arith.constant 1792 : index
    %swap3A_136 = arith.constant 0 : index
    %swap3A_137 = vector.load %arg4[%swap3A_135, %swap3A_136] : memref<4096x128xf32, #tpu.memory_space<vmem>>, vector<256x128xf32>
    tpu.vector_store %arg4[%swap3A_135, %swap3A_136], %add3A_134 {strides = array<i32>} : memref<4096x128xf32, #tpu.memory_space<vmem>>, vector<256x128xf32>,
    %reduce_sum3A_138 = arith.constant dense<0.000000e+00> : vector<128xf32>
    %reduce_sum3A_139 = vector.multi_reduction <add>, %convert_element_type3A_130, %reduce_sum3A_138 [0] : vector<256x128xf32> to vector<128xf32>
    %broadcast_in_dim3A_140 = vector.shape_cast %reduce_sum3A_139 : vector<128xf32> to vector<1x128xf32>
    %add3A_141 = arith.addf %add3A_123, %broadcast_in_dim3A_140 : vector<1x128xf32>
    %get3A_142 = arith.constant 2048 : index
    %get3A_143 = arith.constant 0 : index
    %get3A_144 = vector.load %arg1[%get3A_142, %get3A_143] : memref<4096x1xi32, #tpu.memory_space<vmem>>, vector<256x1xi32>
    %eq3A_145 = vector.broadcast %get3A_144 : vector<256x1xi32> to vector<256x128xi32>
    %eq3A_146 = arith.cmpi eq, %eq3A_145, %iota3A_2 : vector<256x128xi32>
    %convert_element_type3A_147 = arith.extui %eq3A_146 : vector<256x128xi1> to vector<256x128xi32>
    %convert_element_type3A_148 = arith.sitofp %convert_element_type3A_147 : vector<256x128xi32> to vector<256x128xf32>
    %dot_general3A_149 = arith.constant dense<0.000000e+00> : vector<256x128xf32>
    %dot_general3A_150 = tpu.matmul %convert_element_type3A_1, %convert_element_type3A_148, %dot_general3A_149 {dimension_numbers = #tpu.dot_dimension_numbers<[1], [0], [0], [1], [0, 0, 1, 1], [], []>, transpose_lhs_hint = false} : vector<256x256xf32>, vector<256x128xf32>, vector<256x128xf32> -> vector<256x128xf32>
    %add3A_151 = vector.broadcast %add3A_141 : vector<1x128xf32> to vector<256x128xf32>
    %add3A_152 = arith.addf %dot_general3A_150, %add3A_151 : vector<256x128xf32>
    %swap3A_153 = arith.constant 2048 : index
    %swap3A_154 = arith.constant 0 : index
    %swap3A_155 = vector.load %arg4[%swap3A_153, %swap3A_154] : memref<4096x128xf32, #tpu.memory_space<vmem>>, vector<256x128xf32>
    tpu.vector_store %arg4[%swap3A_153, %swap3A_154], %add3A_152 {strides = array<i32>} : memref<4096x128xf32, #tpu.memory_space<vmem>>, vector<256x128xf32>,
    %reduce_sum3A_156 = arith.constant dense<0.000000e+00> : vector<128xf32>
    %reduce_sum3A_157 = vector.multi_reduction <add>, %convert_element_type3A_148, %reduce_sum3A_156 [0] : vector<256x128xf32> to vector<128xf32>
    %broadcast_in_dim3A_158 = vector.shape_cast %reduce_sum3A_157 : vector<128xf32> to vector<1x128xf32>
    %add3A_159 = arith.addf %add3A_141, %broadcast_in_dim3A_158 : vector<1x128xf32>
    %get3A_160 = arith.constant 2304 : index
    %get3A_161 = arith.constant 0 : index
    %get3A_162 = vector.load %arg1[%get3A_160, %get3A_161] : memref<4096x1xi32, #tpu.memory_space<vmem>>, vector<256x1xi32>
    %eq3A_163 = vector.broadcast %get3A_162 : vector<256x1xi32> to vector<256x128xi32>
    %eq3A_164 = arith.cmpi eq, %eq3A_163, %iota3A_2 : vector<256x128xi32>
    %convert_element_type3A_165 = arith.extui %eq3A_164 : vector<256x128xi1> to vector<256x128xi32>
    %convert_element_type3A_166 = arith.sitofp %convert_element_type3A_165 : vector<256x128xi32> to vector<256x128xf32>
    %dot_general3A_167 = arith.constant dense<0.000000e+00> : vector<256x128xf32>
    %dot_general3A_168 = tpu.matmul %convert_element_type3A_1, %convert_element_type3A_166, %dot_general3A_167 {dimension_numbers = #tpu.dot_dimension_numbers<[1], [0], [0], [1], [0, 0, 1, 1], [], []>, transpose_lhs_hint = false} : vector<256x256xf32>, vector<256x128xf32>, vector<256x128xf32> -> vector<256x128xf32>
    %add3A_169 = vector.broadcast %add3A_159 : vector<1x128xf32> to vector<256x128xf32>
    %add3A_170 = arith.addf %dot_general3A_168, %add3A_169 : vector<256x128xf32>
    %swap3A_171 = arith.constant 2304 : index
    %swap3A_172 = arith.constant 0 : index
    %swap3A_173 = vector.load %arg4[%swap3A_171, %swap3A_172] : memref<4096x128xf32, #tpu.memory_space<vmem>>, vector<256x128xf32>
    tpu.vector_store %arg4[%swap3A_171, %swap3A_172], %add3A_170 {strides = array<i32>} : memref<4096x128xf32, #tpu.memory_space<vmem>>, vector<256x128xf32>,
    %reduce_sum3A_174 = arith.constant dense<0.000000e+00> : vector<128xf32>
    %reduce_sum3A_175 = vector.multi_reduction <add>, %convert_element_type3A_166, %reduce_sum3A_174 [0] : vector<256x128xf32> to vector<128xf32>
    %broadcast_in_dim3A_176 = vector.shape_cast %reduce_sum3A_175 : vector<128xf32> to vector<1x128xf32>
    %add3A_177 = arith.addf %add3A_159, %broadcast_in_dim3A_176 : vector<1x128xf32>
    %get3A_178 = arith.constant 2560 : index
    %get3A_179 = arith.constant 0 : index
    %get3A_180 = vector.load %arg1[%get3A_178, %get3A_179] : memref<4096x1xi32, #tpu.memory_space<vmem>>, vector<256x1xi32>
    %eq3A_181 = vector.broadcast %get3A_180 : vector<256x1xi32> to vector<256x128xi32>
    %eq3A_182 = arith.cmpi eq, %eq3A_181, %iota3A_2 : vector<256x128xi32>
    %convert_element_type3A_183 = arith.extui %eq3A_182 : vector<256x128xi1> to vector<256x128xi32>
    %convert_element_type3A_184 = arith.sitofp %convert_element_type3A_183 : vector<256x128xi32> to vector<256x128xf32>
    %dot_general3A_185 = arith.constant dense<0.000000e+00> : vector<256x128xf32>
    %dot_general3A_186 = tpu.matmul %convert_element_type3A_1, %convert_element_type3A_184, %dot_general3A_185 {dimension_numbers = #tpu.dot_dimension_numbers<[1], [0], [0], [1], [0, 0, 1, 1], [], []>, transpose_lhs_hint = false} : vector<256x256xf32>, vector<256x128xf32>, vector<256x128xf32> -> vector<256x128xf32>
    %add3A_187 = vector.broadcast %add3A_177 : vector<1x128xf32> to vector<256x128xf32>
    %add3A_188 = arith.addf %dot_general3A_186, %add3A_187 : vector<256x128xf32>
    %swap3A_189 = arith.constant 2560 : index
    %swap3A_190 = arith.constant 0 : index
    %swap3A_191 = vector.load %arg4[%swap3A_189, %swap3A_190] : memref<4096x128xf32, #tpu.memory_space<vmem>>, vector<256x128xf32>
    tpu.vector_store %arg4[%swap3A_189, %swap3A_190], %add3A_188 {strides = array<i32>} : memref<4096x128xf32, #tpu.memory_space<vmem>>, vector<256x128xf32>,
    %reduce_sum3A_192 = arith.constant dense<0.000000e+00> : vector<128xf32>
    %reduce_sum3A_193 = vector.multi_reduction <add>, %convert_element_type3A_184, %reduce_sum3A_192 [0] : vector<256x128xf32> to vector<128xf32>
    %broadcast_in_dim3A_194 = vector.shape_cast %reduce_sum3A_193 : vector<128xf32> to vector<1x128xf32>
    %add3A_195 = arith.addf %add3A_177, %broadcast_in_dim3A_194 : vector<1x128xf32>
    %get3A_196 = arith.constant 2816 : index
    %get3A_197 = arith.constant 0 : index
    %get3A_198 = vector.load %arg1[%get3A_196, %get3A_197] : memref<4096x1xi32, #tpu.memory_space<vmem>>, vector<256x1xi32>
    %eq3A_199 = vector.broadcast %get3A_198 : vector<256x1xi32> to vector<256x128xi32>
    %eq3A_200 = arith.cmpi eq, %eq3A_199, %iota3A_2 : vector<256x128xi32>
    %convert_element_type3A_201 = arith.extui %eq3A_200 : vector<256x128xi1> to vector<256x128xi32>
    %convert_element_type3A_202 = arith.sitofp %convert_element_type3A_201 : vector<256x128xi32> to vector<256x128xf32>
    %dot_general3A_203 = arith.constant dense<0.000000e+00> : vector<256x128xf32>
    %dot_general3A_204 = tpu.matmul %convert_element_type3A_1, %convert_element_type3A_202, %dot_general3A_203 {dimension_numbers = #tpu.dot_dimension_numbers<[1], [0], [0], [1], [0, 0, 1, 1], [], []>, transpose_lhs_hint = false} : vector<256x256xf32>, vector<256x128xf32>, vector<256x128xf32> -> vector<256x128xf32>
    %add3A_205 = vector.broadcast %add3A_195 : vector<1x128xf32> to vector<256x128xf32>
    %add3A_206 = arith.addf %dot_general3A_204, %add3A_205 : vector<256x128xf32>
    %swap3A_207 = arith.constant 2816 : index
    %swap3A_208 = arith.constant 0 : index
    %swap3A_209 = vector.load %arg4[%swap3A_207, %swap3A_208] : memref<4096x128xf32, #tpu.memory_space<vmem>>, vector<256x128xf32>
    tpu.vector_store %arg4[%swap3A_207, %swap3A_208], %add3A_206 {strides = array<i32>} : memref<4096x128xf32, #tpu.memory_space<vmem>>, vector<256x128xf32>,
    %reduce_sum3A_210 = arith.constant dense<0.000000e+00> : vector<128xf32>
    %reduce_sum3A_211 = vector.multi_reduction <add>, %convert_element_type3A_202, %reduce_sum3A_210 [0] : vector<256x128xf32> to vector<128xf32>
    %broadcast_in_dim3A_212 = vector.shape_cast %reduce_sum3A_211 : vector<128xf32> to vector<1x128xf32>
    %add3A_213 = arith.addf %add3A_195, %broadcast_in_dim3A_212 : vector<1x128xf32>
    %get3A_214 = arith.constant 3072 : index
    %get3A_215 = arith.constant 0 : index
    %get3A_216 = vector.load %arg1[%get3A_214, %get3A_215] : memref<4096x1xi32, #tpu.memory_space<vmem>>, vector<256x1xi32>
    %eq3A_217 = vector.broadcast %get3A_216 : vector<256x1xi32> to vector<256x128xi32>
    %eq3A_218 = arith.cmpi eq, %eq3A_217, %iota3A_2 : vector<256x128xi32>
    %convert_element_type3A_219 = arith.extui %eq3A_218 : vector<256x128xi1> to vector<256x128xi32>
    %convert_element_type3A_220 = arith.sitofp %convert_element_type3A_219 : vector<256x128xi32> to vector<256x128xf32>
    %dot_general3A_221 = arith.constant dense<0.000000e+00> : vector<256x128xf32>
    %dot_general3A_222 = tpu.matmul %convert_element_type3A_1, %convert_element_type3A_220, %dot_general3A_221 {dimension_numbers = #tpu.dot_dimension_numbers<[1], [0], [0], [1], [0, 0, 1, 1], [], []>, transpose_lhs_hint = false} : vector<256x256xf32>, vector<256x128xf32>, vector<256x128xf32> -> vector<256x128xf32>
    %add3A_223 = vector.broadcast %add3A_213 : vector<1x128xf32> to vector<256x128xf32>
    %add3A_224 = arith.addf %dot_general3A_222, %add3A_223 : vector<256x128xf32>
    %swap3A_225 = arith.constant 3072 : index
    %swap3A_226 = arith.constant 0 : index
    %swap3A_227 = vector.load %arg4[%swap3A_225, %swap3A_226] : memref<4096x128xf32, #tpu.memory_space<vmem>>, vector<256x128xf32>
    tpu.vector_store %arg4[%swap3A_225, %swap3A_226], %add3A_224 {strides = array<i32>} : memref<4096x128xf32, #tpu.memory_space<vmem>>, vector<256x128xf32>,
    %reduce_sum3A_228 = arith.constant dense<0.000000e+00> : vector<128xf32>
    %reduce_sum3A_229 = vector.multi_reduction <add>, %convert_element_type3A_220, %reduce_sum3A_228 [0] : vector<256x128xf32> to vector<128xf32>
    %broadcast_in_dim3A_230 = vector.shape_cast %reduce_sum3A_229 : vector<128xf32> to vector<1x128xf32>
    %add3A_231 = arith.addf %add3A_213, %broadcast_in_dim3A_230 : vector<1x128xf32>
    %get3A_232 = arith.constant 3328 : index
    %get3A_233 = arith.constant 0 : index
    %get3A_234 = vector.load %arg1[%get3A_232, %get3A_233] : memref<4096x1xi32, #tpu.memory_space<vmem>>, vector<256x1xi32>
    %eq3A_235 = vector.broadcast %get3A_234 : vector<256x1xi32> to vector<256x128xi32>
    %eq3A_236 = arith.cmpi eq, %eq3A_235, %iota3A_2 : vector<256x128xi32>
    %convert_element_type3A_237 = arith.extui %eq3A_236 : vector<256x128xi1> to vector<256x128xi32>
    %convert_element_type3A_238 = arith.sitofp %convert_element_type3A_237 : vector<256x128xi32> to vector<256x128xf32>
    %dot_general3A_239 = arith.constant dense<0.000000e+00> : vector<256x128xf32>
    %dot_general3A_240 = tpu.matmul %convert_element_type3A_1, %convert_element_type3A_238, %dot_general3A_239 {dimension_numbers = #tpu.dot_dimension_numbers<[1], [0], [0], [1], [0, 0, 1, 1], [], []>, transpose_lhs_hint = false} : vector<256x256xf32>, vector<256x128xf32>, vector<256x128xf32> -> vector<256x128xf32>
    %add3A_241 = vector.broadcast %add3A_231 : vector<1x128xf32> to vector<256x128xf32>
    %add3A_242 = arith.addf %dot_general3A_240, %add3A_241 : vector<256x128xf32>
    %swap3A_243 = arith.constant 3328 : index
    %swap3A_244 = arith.constant 0 : index
    %swap3A_245 = vector.load %arg4[%swap3A_243, %swap3A_244] : memref<4096x128xf32, #tpu.memory_space<vmem>>, vector<256x128xf32>
    tpu.vector_store %arg4[%swap3A_243, %swap3A_244], %add3A_242 {strides = array<i32>} : memref<4096x128xf32, #tpu.memory_space<vmem>>, vector<256x128xf32>,
    %reduce_sum3A_246 = arith.constant dense<0.000000e+00> : vector<128xf32>
    %reduce_sum3A_247 = vector.multi_reduction <add>, %convert_element_type3A_238, %reduce_sum3A_246 [0] : vector<256x128xf32> to vector<128xf32>
    %broadcast_in_dim3A_248 = vector.shape_cast %reduce_sum3A_247 : vector<128xf32> to vector<1x128xf32>
    %add3A_249 = arith.addf %add3A_231, %broadcast_in_dim3A_248 : vector<1x128xf32>
    %get3A_250 = arith.constant 3584 : index
    %get3A_251 = arith.constant 0 : index
    %get3A_252 = vector.load %arg1[%get3A_250, %get3A_251] : memref<4096x1xi32, #tpu.memory_space<vmem>>, vector<256x1xi32>
    %eq3A_253 = vector.broadcast %get3A_252 : vector<256x1xi32> to vector<256x128xi32>
    %eq3A_254 = arith.cmpi eq, %eq3A_253, %iota3A_2 : vector<256x128xi32>
    %convert_element_type3A_255 = arith.extui %eq3A_254 : vector<256x128xi1> to vector<256x128xi32>
    %convert_element_type3A_256 = arith.sitofp %convert_element_type3A_255 : vector<256x128xi32> to vector<256x128xf32>
    %dot_general3A_257 = arith.constant dense<0.000000e+00> : vector<256x128xf32>
    %dot_general3A_258 = tpu.matmul %convert_element_type3A_1, %convert_element_type3A_256, %dot_general3A_257 {dimension_numbers = #tpu.dot_dimension_numbers<[1], [0], [0], [1], [0, 0, 1, 1], [], []>, transpose_lhs_hint = false} : vector<256x256xf32>, vector<256x128xf32>, vector<256x128xf32> -> vector<256x128xf32>
    %add3A_259 = vector.broadcast %add3A_249 : vector<1x128xf32> to vector<256x128xf32>
    %add3A_260 = arith.addf %dot_general3A_258, %add3A_259 : vector<256x128xf32>
    %swap3A_261 = arith.constant 3584 : index
    %swap3A_262 = arith.constant 0 : index
    %swap3A_263 = vector.load %arg4[%swap3A_261, %swap3A_262] : memref<4096x128xf32, #tpu.memory_space<vmem>>, vector<256x128xf32>
    tpu.vector_store %arg4[%swap3A_261, %swap3A_262], %add3A_260 {strides = array<i32>} : memref<4096x128xf32, #tpu.memory_space<vmem>>, vector<256x128xf32>,
    %reduce_sum3A_264 = arith.constant dense<0.000000e+00> : vector<128xf32>
    %reduce_sum3A_265 = vector.multi_reduction <add>, %convert_element_type3A_256, %reduce_sum3A_264 [0] : vector<256x128xf32> to vector<128xf32>
    %broadcast_in_dim3A_266 = vector.shape_cast %reduce_sum3A_265 : vector<128xf32> to vector<1x128xf32>
    %add3A_267 = arith.addf %add3A_249, %broadcast_in_dim3A_266 : vector<1x128xf32>
    %get3A_268 = arith.constant 3840 : index
    %get3A_269 = arith.constant 0 : index
    %get3A_270 = vector.load %arg1[%get3A_268, %get3A_269] : memref<4096x1xi32, #tpu.memory_space<vmem>>, vector<256x1xi32>
    %eq3A_271 = vector.broadcast %get3A_270 : vector<256x1xi32> to vector<256x128xi32>
    %eq3A_272 = arith.cmpi eq, %eq3A_271, %iota3A_2 : vector<256x128xi32>
    %convert_element_type3A_273 = arith.extui %eq3A_272 : vector<256x128xi1> to vector<256x128xi32>
    %convert_element_type3A_274 = arith.sitofp %convert_element_type3A_273 : vector<256x128xi32> to vector<256x128xf32>
    %dot_general3A_275 = arith.constant dense<0.000000e+00> : vector<256x128xf32>
    %dot_general3A_276 = tpu.matmul %convert_element_type3A_1, %convert_element_type3A_274, %dot_general3A_275 {dimension_numbers = #tpu.dot_dimension_numbers<[1], [0], [0], [1], [0, 0, 1, 1], [], []>, transpose_lhs_hint = false} : vector<256x256xf32>, vector<256x128xf32>, vector<256x128xf32> -> vector<256x128xf32>
    %add3A_277 = vector.broadcast %add3A_267 : vector<1x128xf32> to vector<256x128xf32>
    %add3A_278 = arith.addf %dot_general3A_276, %add3A_277 : vector<256x128xf32>
    %swap3A_279 = arith.constant 3840 : index
    %swap3A_280 = arith.constant 0 : index
    %swap3A_281 = vector.load %arg4[%swap3A_279, %swap3A_280] : memref<4096x128xf32, #tpu.memory_space<vmem>>, vector<256x128xf32>
    tpu.vector_store %arg4[%swap3A_279, %swap3A_280], %add3A_278 {strides = array<i32>} : memref<4096x128xf32, #tpu.memory_space<vmem>>, vector<256x128xf32>,
    %reduce_sum3A_282 = arith.constant dense<0.000000e+00> : vector<128xf32>
    %reduce_sum3A_283 = vector.multi_reduction <add>, %convert_element_type3A_274, %reduce_sum3A_282 [0] : vector<256x128xf32> to vector<128xf32>
    %broadcast_in_dim3A_284 = vector.shape_cast %reduce_sum3A_283 : vector<128xf32> to vector<1x128xf32>
    %add3A_285 = arith.addf %add3A_267, %broadcast_in_dim3A_284 : vector<1x128xf32>
    %swap3A_286 = arith.constant 0 : index
    %swap3A_287 = arith.constant 0 : index
    %swap3A_288 = vector.load %arg3[%swap3A_286, %swap3A_287] : memref<1x128xf32, #tpu.memory_space<vmem>>, vector<1x128xf32>
    tpu.vector_store %arg3[%swap3A_286, %swap3A_287], %add3A_285 {strides = array<i32>} : memref<1x128xf32, #tpu.memory_space<vmem>>, vector<1x128xf32>,
    %add3A_289 = arith.constant 2.550000e+02 : f32
    %add3A_290 = vector.broadcast %add3A_289 : f32 to vector<1x128xf32>
    %add3A_291 = arith.addf %add3A_285, %add3A_290 : vector<1x128xf32>
    %mul3A = arith.constant 3.906250e-03 : f32
    %mul3A_292 = vector.broadcast %mul3A : f32 to vector<1x128xf32>
    %mul3A_293 = arith.mulf %add3A_291, %mul3A_292 : vector<1x128xf32>
    %floor3A = math.floor %mul3A_293 : vector<1x128xf32>
    %convert_element_type3A_294 = arith.fptosi %floor3A : vector<1x128xf32> to vector<1x128xi32>
    %convert_element_type3A_295 = arith.sitofp %convert_element_type3A_294 : vector<1x128xi32> to vector<1x128xf32>
    %mul3A_296 = arith.constant 2.560000e+02 : f32
    %mul3A_297 = vector.broadcast %mul3A_296 : f32 to vector<1x128xf32>
    %mul3A_298 = arith.mulf %convert_element_type3A_295, %mul3A_297 : vector<1x128xf32>
    %iota3A_299 = tpu.iota {dimensions = array<i32: 0>} : vector<128x128xi32>
    %iota3A_300 = tpu.iota {dimensions = array<i32: 1>} : vector<128x128xi32>
    %le3A = arith.cmpi sle, %iota3A_299, %iota3A_300 : vector<128x128xi32>
    %convert_element_type3A_301 = arith.extui %le3A : vector<128x128xi1> to vector<128x128xi32>
    %convert_element_type3A_302 = arith.sitofp %convert_element_type3A_301 : vector<128x128xi32> to vector<128x128xf32>
    %dot_general3A_303 = arith.constant dense<0.000000e+00> : vector<1x128xf32>
    %dot_general3A_304 = tpu.matmul %mul3A_298, %convert_element_type3A_302, %dot_general3A_303 {dimension_numbers = #tpu.dot_dimension_numbers<[1], [0], [0], [1], [0, 0, 1, 1], [], []>, transpose_lhs_hint = false} : vector<1x128xf32>, vector<128x128xf32>, vector<1x128xf32> -> vector<1x128xf32>
    %sub3A = arith.subf %dot_general3A_304, %mul3A_298 : vector<1x128xf32>
    %get3A_305 = arith.constant 0 : index
    %get3A_306 = arith.constant 0 : index
    %get3A_307 = vector.load %arg1[%get3A_305, %get3A_306] : memref<4096x1xi32, #tpu.memory_space<vmem>>, vector<256x1xi32>
    %eq3A_308 = vector.broadcast %get3A_307 : vector<256x1xi32> to vector<256x128xi32>
    %eq3A_309 = arith.cmpi eq, %eq3A_308, %iota3A_2 : vector<256x128xi32>
    %convert_element_type3A_310 = arith.extui %eq3A_309 : vector<256x128xi1> to vector<256x128xi32>
    %convert_element_type3A_311 = arith.sitofp %convert_element_type3A_310 : vector<256x128xi32> to vector<256x128xf32>
    %get3A_312 = arith.constant 0 : index
    %get3A_313 = arith.constant 0 : index
    %get3A_314 = vector.load %arg4[%get3A_312, %get3A_313] : memref<4096x128xf32, #tpu.memory_space<vmem>>, vector<256x128xf32>
    %sub3A_315 = arith.constant 1.000000e+00 : f32
    %sub3A_316 = vector.broadcast %sub3A_315 : f32 to vector<256x128xf32>
    %sub3A_317 = arith.subf %get3A_314, %sub3A_316 : vector<256x128xf32>
    %add3A_318 = vector.broadcast %sub3A : vector<1x128xf32> to vector<256x128xf32>
    %add3A_319 = arith.addf %sub3A_317, %add3A_318 : vector<256x128xf32>
    %mul3A_320 = arith.mulf %convert_element_type3A_311, %add3A_319 : vector<256x128xf32>
    %reduce_sum3A_321 = arith.constant dense<0.000000e+00> : vector<256xf32>
    %reduce_sum3A_322 = vector.multi_reduction <add>, %mul3A_320, %reduce_sum3A_321 [1] : vector<256x128xf32> to vector<256xf32>
    %broadcast_in_dim3A_323 = vector.shape_cast %reduce_sum3A_322 : vector<256xf32> to vector<256x1xf32>
    %convert_element_type3A_324 = arith.fptosi %broadcast_in_dim3A_323 : vector<256x1xf32> to vector<256x1xi32>
    %swap3A_325 = arith.constant 0 : index
    %swap3A_326 = arith.constant 0 : index
    %swap3A_327 = vector.load %arg2[%swap3A_325, %swap3A_326] : memref<4096x1xi32, #tpu.memory_space<vmem>>, vector<256x1xi32>
    tpu.vector_store %arg2[%swap3A_325, %swap3A_326], %convert_element_type3A_324 {strides = array<i32>} : memref<4096x1xi32, #tpu.memory_space<vmem>>, vector<256x1xi32>,
    %get3A_328 = arith.constant 256 : index
    %get3A_329 = arith.constant 0 : index
    %get3A_330 = vector.load %arg1[%get3A_328, %get3A_329] : memref<4096x1xi32, #tpu.memory_space<vmem>>, vector<256x1xi32>
    %eq3A_331 = vector.broadcast %get3A_330 : vector<256x1xi32> to vector<256x128xi32>
    %eq3A_332 = arith.cmpi eq, %eq3A_331, %iota3A_2 : vector<256x128xi32>
    %convert_element_type3A_333 = arith.extui %eq3A_332 : vector<256x128xi1> to vector<256x128xi32>
    %convert_element_type3A_334 = arith.sitofp %convert_element_type3A_333 : vector<256x128xi32> to vector<256x128xf32>
    %get3A_335 = arith.constant 256 : index
    %get3A_336 = arith.constant 0 : index
    %get3A_337 = vector.load %arg4[%get3A_335, %get3A_336] : memref<4096x128xf32, #tpu.memory_space<vmem>>, vector<256x128xf32>
    %sub3A_338 = arith.constant 1.000000e+00 : f32
    %sub3A_339 = vector.broadcast %sub3A_338 : f32 to vector<256x128xf32>
    %sub3A_340 = arith.subf %get3A_337, %sub3A_339 : vector<256x128xf32>
    %add3A_341 = vector.broadcast %sub3A : vector<1x128xf32> to vector<256x128xf32>
    %add3A_342 = arith.addf %sub3A_340, %add3A_341 : vector<256x128xf32>
    %mul3A_343 = arith.mulf %convert_element_type3A_334, %add3A_342 : vector<256x128xf32>
    %reduce_sum3A_344 = arith.constant dense<0.000000e+00> : vector<256xf32>
    %reduce_sum3A_345 = vector.multi_reduction <add>, %mul3A_343, %reduce_sum3A_344 [1] : vector<256x128xf32> to vector<256xf32>
    %broadcast_in_dim3A_346 = vector.shape_cast %reduce_sum3A_345 : vector<256xf32> to vector<256x1xf32>
    %convert_element_type3A_347 = arith.fptosi %broadcast_in_dim3A_346 : vector<256x1xf32> to vector<256x1xi32>
    %swap3A_348 = arith.constant 256 : index
    %swap3A_349 = arith.constant 0 : index
    %swap3A_350 = vector.load %arg2[%swap3A_348, %swap3A_349] : memref<4096x1xi32, #tpu.memory_space<vmem>>, vector<256x1xi32>
    tpu.vector_store %arg2[%swap3A_348, %swap3A_349], %convert_element_type3A_347 {strides = array<i32>} : memref<4096x1xi32, #tpu.memory_space<vmem>>, vector<256x1xi32>,
    %get3A_351 = arith.constant 512 : index
    %get3A_352 = arith.constant 0 : index
    %get3A_353 = vector.load %arg1[%get3A_351, %get3A_352] : memref<4096x1xi32, #tpu.memory_space<vmem>>, vector<256x1xi32>
    %eq3A_354 = vector.broadcast %get3A_353 : vector<256x1xi32> to vector<256x128xi32>
    %eq3A_355 = arith.cmpi eq, %eq3A_354, %iota3A_2 : vector<256x128xi32>
    %convert_element_type3A_356 = arith.extui %eq3A_355 : vector<256x128xi1> to vector<256x128xi32>
    %convert_element_type3A_357 = arith.sitofp %convert_element_type3A_356 : vector<256x128xi32> to vector<256x128xf32>
    %get3A_358 = arith.constant 512 : index
    %get3A_359 = arith.constant 0 : index
    %get3A_360 = vector.load %arg4[%get3A_358, %get3A_359] : memref<4096x128xf32, #tpu.memory_space<vmem>>, vector<256x128xf32>
    %sub3A_361 = arith.constant 1.000000e+00 : f32
    %sub3A_362 = vector.broadcast %sub3A_361 : f32 to vector<256x128xf32>
    %sub3A_363 = arith.subf %get3A_360, %sub3A_362 : vector<256x128xf32>
    %add3A_364 = vector.broadcast %sub3A : vector<1x128xf32> to vector<256x128xf32>
    %add3A_365 = arith.addf %sub3A_363, %add3A_364 : vector<256x128xf32>
    %mul3A_366 = arith.mulf %convert_element_type3A_357, %add3A_365 : vector<256x128xf32>
    %reduce_sum3A_367 = arith.constant dense<0.000000e+00> : vector<256xf32>
    %reduce_sum3A_368 = vector.multi_reduction <add>, %mul3A_366, %reduce_sum3A_367 [1] : vector<256x128xf32> to vector<256xf32>
    %broadcast_in_dim3A_369 = vector.shape_cast %reduce_sum3A_368 : vector<256xf32> to vector<256x1xf32>
    %convert_element_type3A_370 = arith.fptosi %broadcast_in_dim3A_369 : vector<256x1xf32> to vector<256x1xi32>
    %swap3A_371 = arith.constant 512 : index
    %swap3A_372 = arith.constant 0 : index
    %swap3A_373 = vector.load %arg2[%swap3A_371, %swap3A_372] : memref<4096x1xi32, #tpu.memory_space<vmem>>, vector<256x1xi32>
    tpu.vector_store %arg2[%swap3A_371, %swap3A_372], %convert_element_type3A_370 {strides = array<i32>} : memref<4096x1xi32, #tpu.memory_space<vmem>>, vector<256x1xi32>,
    %get3A_374 = arith.constant 768 : index
    %get3A_375 = arith.constant 0 : index
    %get3A_376 = vector.load %arg1[%get3A_374, %get3A_375] : memref<4096x1xi32, #tpu.memory_space<vmem>>, vector<256x1xi32>
    %eq3A_377 = vector.broadcast %get3A_376 : vector<256x1xi32> to vector<256x128xi32>
    %eq3A_378 = arith.cmpi eq, %eq3A_377, %iota3A_2 : vector<256x128xi32>
    %convert_element_type3A_379 = arith.extui %eq3A_378 : vector<256x128xi1> to vector<256x128xi32>
    %convert_element_type3A_380 = arith.sitofp %convert_element_type3A_379 : vector<256x128xi32> to vector<256x128xf32>
    %get3A_381 = arith.constant 768 : index
    %get3A_382 = arith.constant 0 : index
    %get3A_383 = vector.load %arg4[%get3A_381, %get3A_382] : memref<4096x128xf32, #tpu.memory_space<vmem>>, vector<256x128xf32>
    %sub3A_384 = arith.constant 1.000000e+00 : f32
    %sub3A_385 = vector.broadcast %sub3A_384 : f32 to vector<256x128xf32>
    %sub3A_386 = arith.subf %get3A_383, %sub3A_385 : vector<256x128xf32>
    %add3A_387 = vector.broadcast %sub3A : vector<1x128xf32> to vector<256x128xf32>
    %add3A_388 = arith.addf %sub3A_386, %add3A_387 : vector<256x128xf32>
    %mul3A_389 = arith.mulf %convert_element_type3A_380, %add3A_388 : vector<256x128xf32>
    %reduce_sum3A_390 = arith.constant dense<0.000000e+00> : vector<256xf32>
    %reduce_sum3A_391 = vector.multi_reduction <add>, %mul3A_389, %reduce_sum3A_390 [1] : vector<256x128xf32> to vector<256xf32>
    %broadcast_in_dim3A_392 = vector.shape_cast %reduce_sum3A_391 : vector<256xf32> to vector<256x1xf32>
    %convert_element_type3A_393 = arith.fptosi %broadcast_in_dim3A_392 : vector<256x1xf32> to vector<256x1xi32>
    %swap3A_394 = arith.constant 768 : index
    %swap3A_395 = arith.constant 0 : index
    %swap3A_396 = vector.load %arg2[%swap3A_394, %swap3A_395] : memref<4096x1xi32, #tpu.memory_space<vmem>>, vector<256x1xi32>
    tpu.vector_store %arg2[%swap3A_394, %swap3A_395], %convert_element_type3A_393 {strides = array<i32>} : memref<4096x1xi32, #tpu.memory_space<vmem>>, vector<256x1xi32>,
    %get3A_397 = arith.constant 1024 : index
    %get3A_398 = arith.constant 0 : index
    %get3A_399 = vector.load %arg1[%get3A_397, %get3A_398] : memref<4096x1xi32, #tpu.memory_space<vmem>>, vector<256x1xi32>
    %eq3A_400 = vector.broadcast %get3A_399 : vector<256x1xi32> to vector<256x128xi32>
    %eq3A_401 = arith.cmpi eq, %eq3A_400, %iota3A_2 : vector<256x128xi32>
    %convert_element_type3A_402 = arith.extui %eq3A_401 : vector<256x128xi1> to vector<256x128xi32>
    %convert_element_type3A_403 = arith.sitofp %convert_element_type3A_402 : vector<256x128xi32> to vector<256x128xf32>
    %get3A_404 = arith.constant 1024 : index
    %get3A_405 = arith.constant 0 : index
    %get3A_406 = vector.load %arg4[%get3A_404, %get3A_405] : memref<4096x128xf32, #tpu.memory_space<vmem>>, vector<256x128xf32>
    %sub3A_407 = arith.constant 1.000000e+00 : f32
    %sub3A_408 = vector.broadcast %sub3A_407 : f32 to vector<256x128xf32>
    %sub3A_409 = arith.subf %get3A_406, %sub3A_408 : vector<256x128xf32>
    %add3A_410 = vector.broadcast %sub3A : vector<1x128xf32> to vector<256x128xf32>
    %add3A_411 = arith.addf %sub3A_409, %add3A_410 : vector<256x128xf32>
    %mul3A_412 = arith.mulf %convert_element_type3A_403, %add3A_411 : vector<256x128xf32>
    %reduce_sum3A_413 = arith.constant dense<0.000000e+00> : vector<256xf32>
    %reduce_sum3A_414 = vector.multi_reduction <add>, %mul3A_412, %reduce_sum3A_413 [1] : vector<256x128xf32> to vector<256xf32>
    %broadcast_in_dim3A_415 = vector.shape_cast %reduce_sum3A_414 : vector<256xf32> to vector<256x1xf32>
    %convert_element_type3A_416 = arith.fptosi %broadcast_in_dim3A_415 : vector<256x1xf32> to vector<256x1xi32>
    %swap3A_417 = arith.constant 1024 : index
    %swap3A_418 = arith.constant 0 : index
    %swap3A_419 = vector.load %arg2[%swap3A_417, %swap3A_418] : memref<4096x1xi32, #tpu.memory_space<vmem>>, vector<256x1xi32>
    tpu.vector_store %arg2[%swap3A_417, %swap3A_418], %convert_element_type3A_416 {strides = array<i32>} : memref<4096x1xi32, #tpu.memory_space<vmem>>, vector<256x1xi32>,
    %get3A_420 = arith.constant 1280 : index
    %get3A_421 = arith.constant 0 : index
    %get3A_422 = vector.load %arg1[%get3A_420, %get3A_421] : memref<4096x1xi32, #tpu.memory_space<vmem>>, vector<256x1xi32>
    %eq3A_423 = vector.broadcast %get3A_422 : vector<256x1xi32> to vector<256x128xi32>
    %eq3A_424 = arith.cmpi eq, %eq3A_423, %iota3A_2 : vector<256x128xi32>
    %convert_element_type3A_425 = arith.extui %eq3A_424 : vector<256x128xi1> to vector<256x128xi32>
    %convert_element_type3A_426 = arith.sitofp %convert_element_type3A_425 : vector<256x128xi32> to vector<256x128xf32>
    %get3A_427 = arith.constant 1280 : index
    %get3A_428 = arith.constant 0 : index
    %get3A_429 = vector.load %arg4[%get3A_427, %get3A_428] : memref<4096x128xf32, #tpu.memory_space<vmem>>, vector<256x128xf32>
    %sub3A_430 = arith.constant 1.000000e+00 : f32
    %sub3A_431 = vector.broadcast %sub3A_430 : f32 to vector<256x128xf32>
    %sub3A_432 = arith.subf %get3A_429, %sub3A_431 : vector<256x128xf32>
    %add3A_433 = vector.broadcast %sub3A : vector<1x128xf32> to vector<256x128xf32>
    %add3A_434 = arith.addf %sub3A_432, %add3A_433 : vector<256x128xf32>
    %mul3A_435 = arith.mulf %convert_element_type3A_426, %add3A_434 : vector<256x128xf32>
    %reduce_sum3A_436 = arith.constant dense<0.000000e+00> : vector<256xf32>
    %reduce_sum3A_437 = vector.multi_reduction <add>, %mul3A_435, %reduce_sum3A_436 [1] : vector<256x128xf32> to vector<256xf32>
    %broadcast_in_dim3A_438 = vector.shape_cast %reduce_sum3A_437 : vector<256xf32> to vector<256x1xf32>
    %convert_element_type3A_439 = arith.fptosi %broadcast_in_dim3A_438 : vector<256x1xf32> to vector<256x1xi32>
    %swap3A_440 = arith.constant 1280 : index
    %swap3A_441 = arith.constant 0 : index
    %swap3A_442 = vector.load %arg2[%swap3A_440, %swap3A_441] : memref<4096x1xi32, #tpu.memory_space<vmem>>, vector<256x1xi32>
    tpu.vector_store %arg2[%swap3A_440, %swap3A_441], %convert_element_type3A_439 {strides = array<i32>} : memref<4096x1xi32, #tpu.memory_space<vmem>>, vector<256x1xi32>,
    %get3A_443 = arith.constant 1536 : index
    %get3A_444 = arith.constant 0 : index
    %get3A_445 = vector.load %arg1[%get3A_443, %get3A_444] : memref<4096x1xi32, #tpu.memory_space<vmem>>, vector<256x1xi32>
    %eq3A_446 = vector.broadcast %get3A_445 : vector<256x1xi32> to vector<256x128xi32>
    %eq3A_447 = arith.cmpi eq, %eq3A_446, %iota3A_2 : vector<256x128xi32>
    %convert_element_type3A_448 = arith.extui %eq3A_447 : vector<256x128xi1> to vector<256x128xi32>
    %convert_element_type3A_449 = arith.sitofp %convert_element_type3A_448 : vector<256x128xi32> to vector<256x128xf32>
    %get3A_450 = arith.constant 1536 : index
    %get3A_451 = arith.constant 0 : index
    %get3A_452 = vector.load %arg4[%get3A_450, %get3A_451] : memref<4096x128xf32, #tpu.memory_space<vmem>>, vector<256x128xf32>
    %sub3A_453 = arith.constant 1.000000e+00 : f32
    %sub3A_454 = vector.broadcast %sub3A_453 : f32 to vector<256x128xf32>
    %sub3A_455 = arith.subf %get3A_452, %sub3A_454 : vector<256x128xf32>
    %add3A_456 = vector.broadcast %sub3A : vector<1x128xf32> to vector<256x128xf32>
    %add3A_457 = arith.addf %sub3A_455, %add3A_456 : vector<256x128xf32>
    %mul3A_458 = arith.mulf %convert_element_type3A_449, %add3A_457 : vector<256x128xf32>
    %reduce_sum3A_459 = arith.constant dense<0.000000e+00> : vector<256xf32>
    %reduce_sum3A_460 = vector.multi_reduction <add>, %mul3A_458, %reduce_sum3A_459 [1] : vector<256x128xf32> to vector<256xf32>
    %broadcast_in_dim3A_461 = vector.shape_cast %reduce_sum3A_460 : vector<256xf32> to vector<256x1xf32>
    %convert_element_type3A_462 = arith.fptosi %broadcast_in_dim3A_461 : vector<256x1xf32> to vector<256x1xi32>
    %swap3A_463 = arith.constant 1536 : index
    %swap3A_464 = arith.constant 0 : index
    %swap3A_465 = vector.load %arg2[%swap3A_463, %swap3A_464] : memref<4096x1xi32, #tpu.memory_space<vmem>>, vector<256x1xi32>
    tpu.vector_store %arg2[%swap3A_463, %swap3A_464], %convert_element_type3A_462 {strides = array<i32>} : memref<4096x1xi32, #tpu.memory_space<vmem>>, vector<256x1xi32>,
    %get3A_466 = arith.constant 1792 : index
    %get3A_467 = arith.constant 0 : index
    %get3A_468 = vector.load %arg1[%get3A_466, %get3A_467] : memref<4096x1xi32, #tpu.memory_space<vmem>>, vector<256x1xi32>
    %eq3A_469 = vector.broadcast %get3A_468 : vector<256x1xi32> to vector<256x128xi32>
    %eq3A_470 = arith.cmpi eq, %eq3A_469, %iota3A_2 : vector<256x128xi32>
    %convert_element_type3A_471 = arith.extui %eq3A_470 : vector<256x128xi1> to vector<256x128xi32>
    %convert_element_type3A_472 = arith.sitofp %convert_element_type3A_471 : vector<256x128xi32> to vector<256x128xf32>
    %get3A_473 = arith.constant 1792 : index
    %get3A_474 = arith.constant 0 : index
    %get3A_475 = vector.load %arg4[%get3A_473, %get3A_474] : memref<4096x128xf32, #tpu.memory_space<vmem>>, vector<256x128xf32>
    %sub3A_476 = arith.constant 1.000000e+00 : f32
    %sub3A_477 = vector.broadcast %sub3A_476 : f32 to vector<256x128xf32>
    %sub3A_478 = arith.subf %get3A_475, %sub3A_477 : vector<256x128xf32>
    %add3A_479 = vector.broadcast %sub3A : vector<1x128xf32> to vector<256x128xf32>
    %add3A_480 = arith.addf %sub3A_478, %add3A_479 : vector<256x128xf32>
    %mul3A_481 = arith.mulf %convert_element_type3A_472, %add3A_480 : vector<256x128xf32>
    %reduce_sum3A_482 = arith.constant dense<0.000000e+00> : vector<256xf32>
    %reduce_sum3A_483 = vector.multi_reduction <add>, %mul3A_481, %reduce_sum3A_482 [1] : vector<256x128xf32> to vector<256xf32>
    %broadcast_in_dim3A_484 = vector.shape_cast %reduce_sum3A_483 : vector<256xf32> to vector<256x1xf32>
    %convert_element_type3A_485 = arith.fptosi %broadcast_in_dim3A_484 : vector<256x1xf32> to vector<256x1xi32>
    %swap3A_486 = arith.constant 1792 : index
    %swap3A_487 = arith.constant 0 : index
    %swap3A_488 = vector.load %arg2[%swap3A_486, %swap3A_487] : memref<4096x1xi32, #tpu.memory_space<vmem>>, vector<256x1xi32>
    tpu.vector_store %arg2[%swap3A_486, %swap3A_487], %convert_element_type3A_485 {strides = array<i32>} : memref<4096x1xi32, #tpu.memory_space<vmem>>, vector<256x1xi32>,
    %get3A_489 = arith.constant 2048 : index
    %get3A_490 = arith.constant 0 : index
    %get3A_491 = vector.load %arg1[%get3A_489, %get3A_490] : memref<4096x1xi32, #tpu.memory_space<vmem>>, vector<256x1xi32>
    %eq3A_492 = vector.broadcast %get3A_491 : vector<256x1xi32> to vector<256x128xi32>
    %eq3A_493 = arith.cmpi eq, %eq3A_492, %iota3A_2 : vector<256x128xi32>
    %convert_element_type3A_494 = arith.extui %eq3A_493 : vector<256x128xi1> to vector<256x128xi32>
    %convert_element_type3A_495 = arith.sitofp %convert_element_type3A_494 : vector<256x128xi32> to vector<256x128xf32>
    %get3A_496 = arith.constant 2048 : index
    %get3A_497 = arith.constant 0 : index
    %get3A_498 = vector.load %arg4[%get3A_496, %get3A_497] : memref<4096x128xf32, #tpu.memory_space<vmem>>, vector<256x128xf32>
    %sub3A_499 = arith.constant 1.000000e+00 : f32
    %sub3A_500 = vector.broadcast %sub3A_499 : f32 to vector<256x128xf32>
    %sub3A_501 = arith.subf %get3A_498, %sub3A_500 : vector<256x128xf32>
    %add3A_502 = vector.broadcast %sub3A : vector<1x128xf32> to vector<256x128xf32>
    %add3A_503 = arith.addf %sub3A_501, %add3A_502 : vector<256x128xf32>
    %mul3A_504 = arith.mulf %convert_element_type3A_495, %add3A_503 : vector<256x128xf32>
    %reduce_sum3A_505 = arith.constant dense<0.000000e+00> : vector<256xf32>
    %reduce_sum3A_506 = vector.multi_reduction <add>, %mul3A_504, %reduce_sum3A_505 [1] : vector<256x128xf32> to vector<256xf32>
    %broadcast_in_dim3A_507 = vector.shape_cast %reduce_sum3A_506 : vector<256xf32> to vector<256x1xf32>
    %convert_element_type3A_508 = arith.fptosi %broadcast_in_dim3A_507 : vector<256x1xf32> to vector<256x1xi32>
    %swap3A_509 = arith.constant 2048 : index
    %swap3A_510 = arith.constant 0 : index
    %swap3A_511 = vector.load %arg2[%swap3A_509, %swap3A_510] : memref<4096x1xi32, #tpu.memory_space<vmem>>, vector<256x1xi32>
    tpu.vector_store %arg2[%swap3A_509, %swap3A_510], %convert_element_type3A_508 {strides = array<i32>} : memref<4096x1xi32, #tpu.memory_space<vmem>>, vector<256x1xi32>,
    %get3A_512 = arith.constant 2304 : index
    %get3A_513 = arith.constant 0 : index
    %get3A_514 = vector.load %arg1[%get3A_512, %get3A_513] : memref<4096x1xi32, #tpu.memory_space<vmem>>, vector<256x1xi32>
    %eq3A_515 = vector.broadcast %get3A_514 : vector<256x1xi32> to vector<256x128xi32>
    %eq3A_516 = arith.cmpi eq, %eq3A_515, %iota3A_2 : vector<256x128xi32>
    %convert_element_type3A_517 = arith.extui %eq3A_516 : vector<256x128xi1> to vector<256x128xi32>
    %convert_element_type3A_518 = arith.sitofp %convert_element_type3A_517 : vector<256x128xi32> to vector<256x128xf32>
    %get3A_519 = arith.constant 2304 : index
    %get3A_520 = arith.constant 0 : index
    %get3A_521 = vector.load %arg4[%get3A_519, %get3A_520] : memref<4096x128xf32, #tpu.memory_space<vmem>>, vector<256x128xf32>
    %sub3A_522 = arith.constant 1.000000e+00 : f32
    %sub3A_523 = vector.broadcast %sub3A_522 : f32 to vector<256x128xf32>
    %sub3A_524 = arith.subf %get3A_521, %sub3A_523 : vector<256x128xf32>
    %add3A_525 = vector.broadcast %sub3A : vector<1x128xf32> to vector<256x128xf32>
    %add3A_526 = arith.addf %sub3A_524, %add3A_525 : vector<256x128xf32>
    %mul3A_527 = arith.mulf %convert_element_type3A_518, %add3A_526 : vector<256x128xf32>
    %reduce_sum3A_528 = arith.constant dense<0.000000e+00> : vector<256xf32>
    %reduce_sum3A_529 = vector.multi_reduction <add>, %mul3A_527, %reduce_sum3A_528 [1] : vector<256x128xf32> to vector<256xf32>
    %broadcast_in_dim3A_530 = vector.shape_cast %reduce_sum3A_529 : vector<256xf32> to vector<256x1xf32>
    %convert_element_type3A_531 = arith.fptosi %broadcast_in_dim3A_530 : vector<256x1xf32> to vector<256x1xi32>
    %swap3A_532 = arith.constant 2304 : index
    %swap3A_533 = arith.constant 0 : index
    %swap3A_534 = vector.load %arg2[%swap3A_532, %swap3A_533] : memref<4096x1xi32, #tpu.memory_space<vmem>>, vector<256x1xi32>
    tpu.vector_store %arg2[%swap3A_532, %swap3A_533], %convert_element_type3A_531 {strides = array<i32>} : memref<4096x1xi32, #tpu.memory_space<vmem>>, vector<256x1xi32>,
    %get3A_535 = arith.constant 2560 : index
    %get3A_536 = arith.constant 0 : index
    %get3A_537 = vector.load %arg1[%get3A_535, %get3A_536] : memref<4096x1xi32, #tpu.memory_space<vmem>>, vector<256x1xi32>
    %eq3A_538 = vector.broadcast %get3A_537 : vector<256x1xi32> to vector<256x128xi32>
    %eq3A_539 = arith.cmpi eq, %eq3A_538, %iota3A_2 : vector<256x128xi32>
    %convert_element_type3A_540 = arith.extui %eq3A_539 : vector<256x128xi1> to vector<256x128xi32>
    %convert_element_type3A_541 = arith.sitofp %convert_element_type3A_540 : vector<256x128xi32> to vector<256x128xf32>
    %get3A_542 = arith.constant 2560 : index
    %get3A_543 = arith.constant 0 : index
    %get3A_544 = vector.load %arg4[%get3A_542, %get3A_543] : memref<4096x128xf32, #tpu.memory_space<vmem>>, vector<256x128xf32>
    %sub3A_545 = arith.constant 1.000000e+00 : f32
    %sub3A_546 = vector.broadcast %sub3A_545 : f32 to vector<256x128xf32>
    %sub3A_547 = arith.subf %get3A_544, %sub3A_546 : vector<256x128xf32>
    %add3A_548 = vector.broadcast %sub3A : vector<1x128xf32> to vector<256x128xf32>
    %add3A_549 = arith.addf %sub3A_547, %add3A_548 : vector<256x128xf32>
    %mul3A_550 = arith.mulf %convert_element_type3A_541, %add3A_549 : vector<256x128xf32>
    %reduce_sum3A_551 = arith.constant dense<0.000000e+00> : vector<256xf32>
    %reduce_sum3A_552 = vector.multi_reduction <add>, %mul3A_550, %reduce_sum3A_551 [1] : vector<256x128xf32> to vector<256xf32>
    %broadcast_in_dim3A_553 = vector.shape_cast %reduce_sum3A_552 : vector<256xf32> to vector<256x1xf32>
    %convert_element_type3A_554 = arith.fptosi %broadcast_in_dim3A_553 : vector<256x1xf32> to vector<256x1xi32>
    %swap3A_555 = arith.constant 2560 : index
    %swap3A_556 = arith.constant 0 : index
    %swap3A_557 = vector.load %arg2[%swap3A_555, %swap3A_556] : memref<4096x1xi32, #tpu.memory_space<vmem>>, vector<256x1xi32>
    tpu.vector_store %arg2[%swap3A_555, %swap3A_556], %convert_element_type3A_554 {strides = array<i32>} : memref<4096x1xi32, #tpu.memory_space<vmem>>, vector<256x1xi32>,
    %get3A_558 = arith.constant 2816 : index
    %get3A_559 = arith.constant 0 : index
    %get3A_560 = vector.load %arg1[%get3A_558, %get3A_559] : memref<4096x1xi32, #tpu.memory_space<vmem>>, vector<256x1xi32>
    %eq3A_561 = vector.broadcast %get3A_560 : vector<256x1xi32> to vector<256x128xi32>
    %eq3A_562 = arith.cmpi eq, %eq3A_561, %iota3A_2 : vector<256x128xi32>
    %convert_element_type3A_563 = arith.extui %eq3A_562 : vector<256x128xi1> to vector<256x128xi32>
    %convert_element_type3A_564 = arith.sitofp %convert_element_type3A_563 : vector<256x128xi32> to vector<256x128xf32>
    %get3A_565 = arith.constant 2816 : index
    %get3A_566 = arith.constant 0 : index
    %get3A_567 = vector.load %arg4[%get3A_565, %get3A_566] : memref<4096x128xf32, #tpu.memory_space<vmem>>, vector<256x128xf32>
    %sub3A_568 = arith.constant 1.000000e+00 : f32
    %sub3A_569 = vector.broadcast %sub3A_568 : f32 to vector<256x128xf32>
    %sub3A_570 = arith.subf %get3A_567, %sub3A_569 : vector<256x128xf32>
    %add3A_571 = vector.broadcast %sub3A : vector<1x128xf32> to vector<256x128xf32>
    %add3A_572 = arith.addf %sub3A_570, %add3A_571 : vector<256x128xf32>
    %mul3A_573 = arith.mulf %convert_element_type3A_564, %add3A_572 : vector<256x128xf32>
    %reduce_sum3A_574 = arith.constant dense<0.000000e+00> : vector<256xf32>
    %reduce_sum3A_575 = vector.multi_reduction <add>, %mul3A_573, %reduce_sum3A_574 [1] : vector<256x128xf32> to vector<256xf32>
    %broadcast_in_dim3A_576 = vector.shape_cast %reduce_sum3A_575 : vector<256xf32> to vector<256x1xf32>
    %convert_element_type3A_577 = arith.fptosi %broadcast_in_dim3A_576 : vector<256x1xf32> to vector<256x1xi32>
    %swap3A_578 = arith.constant 2816 : index
    %swap3A_579 = arith.constant 0 : index
    %swap3A_580 = vector.load %arg2[%swap3A_578, %swap3A_579] : memref<4096x1xi32, #tpu.memory_space<vmem>>, vector<256x1xi32>
    tpu.vector_store %arg2[%swap3A_578, %swap3A_579], %convert_element_type3A_577 {strides = array<i32>} : memref<4096x1xi32, #tpu.memory_space<vmem>>, vector<256x1xi32>,
    %get3A_581 = arith.constant 3072 : index
    %get3A_582 = arith.constant 0 : index
    %get3A_583 = vector.load %arg1[%get3A_581, %get3A_582] : memref<4096x1xi32, #tpu.memory_space<vmem>>, vector<256x1xi32>
    %eq3A_584 = vector.broadcast %get3A_583 : vector<256x1xi32> to vector<256x128xi32>
    %eq3A_585 = arith.cmpi eq, %eq3A_584, %iota3A_2 : vector<256x128xi32>
    %convert_element_type3A_586 = arith.extui %eq3A_585 : vector<256x128xi1> to vector<256x128xi32>
    %convert_element_type3A_587 = arith.sitofp %convert_element_type3A_586 : vector<256x128xi32> to vector<256x128xf32>
    %get3A_588 = arith.constant 3072 : index
    %get3A_589 = arith.constant 0 : index
    %get3A_590 = vector.load %arg4[%get3A_588, %get3A_589] : memref<4096x128xf32, #tpu.memory_space<vmem>>, vector<256x128xf32>
    %sub3A_591 = arith.constant 1.000000e+00 : f32
    %sub3A_592 = vector.broadcast %sub3A_591 : f32 to vector<256x128xf32>
    %sub3A_593 = arith.subf %get3A_590, %sub3A_592 : vector<256x128xf32>
    %add3A_594 = vector.broadcast %sub3A : vector<1x128xf32> to vector<256x128xf32>
    %add3A_595 = arith.addf %sub3A_593, %add3A_594 : vector<256x128xf32>
    %mul3A_596 = arith.mulf %convert_element_type3A_587, %add3A_595 : vector<256x128xf32>
    %reduce_sum3A_597 = arith.constant dense<0.000000e+00> : vector<256xf32>
    %reduce_sum3A_598 = vector.multi_reduction <add>, %mul3A_596, %reduce_sum3A_597 [1] : vector<256x128xf32> to vector<256xf32>
    %broadcast_in_dim3A_599 = vector.shape_cast %reduce_sum3A_598 : vector<256xf32> to vector<256x1xf32>
    %convert_element_type3A_600 = arith.fptosi %broadcast_in_dim3A_599 : vector<256x1xf32> to vector<256x1xi32>
    %swap3A_601 = arith.constant 3072 : index
    %swap3A_602 = arith.constant 0 : index
    %swap3A_603 = vector.load %arg2[%swap3A_601, %swap3A_602] : memref<4096x1xi32, #tpu.memory_space<vmem>>, vector<256x1xi32>
    tpu.vector_store %arg2[%swap3A_601, %swap3A_602], %convert_element_type3A_600 {strides = array<i32>} : memref<4096x1xi32, #tpu.memory_space<vmem>>, vector<256x1xi32>,
    %get3A_604 = arith.constant 3328 : index
    %get3A_605 = arith.constant 0 : index
    %get3A_606 = vector.load %arg1[%get3A_604, %get3A_605] : memref<4096x1xi32, #tpu.memory_space<vmem>>, vector<256x1xi32>
    %eq3A_607 = vector.broadcast %get3A_606 : vector<256x1xi32> to vector<256x128xi32>
    %eq3A_608 = arith.cmpi eq, %eq3A_607, %iota3A_2 : vector<256x128xi32>
    %convert_element_type3A_609 = arith.extui %eq3A_608 : vector<256x128xi1> to vector<256x128xi32>
    %convert_element_type3A_610 = arith.sitofp %convert_element_type3A_609 : vector<256x128xi32> to vector<256x128xf32>
    %get3A_611 = arith.constant 3328 : index
    %get3A_612 = arith.constant 0 : index
    %get3A_613 = vector.load %arg4[%get3A_611, %get3A_612] : memref<4096x128xf32, #tpu.memory_space<vmem>>, vector<256x128xf32>
    %sub3A_614 = arith.constant 1.000000e+00 : f32
    %sub3A_615 = vector.broadcast %sub3A_614 : f32 to vector<256x128xf32>
    %sub3A_616 = arith.subf %get3A_613, %sub3A_615 : vector<256x128xf32>
    %add3A_617 = vector.broadcast %sub3A : vector<1x128xf32> to vector<256x128xf32>
    %add3A_618 = arith.addf %sub3A_616, %add3A_617 : vector<256x128xf32>
    %mul3A_619 = arith.mulf %convert_element_type3A_610, %add3A_618 : vector<256x128xf32>
    %reduce_sum3A_620 = arith.constant dense<0.000000e+00> : vector<256xf32>
    %reduce_sum3A_621 = vector.multi_reduction <add>, %mul3A_619, %reduce_sum3A_620 [1] : vector<256x128xf32> to vector<256xf32>
    %broadcast_in_dim3A_622 = vector.shape_cast %reduce_sum3A_621 : vector<256xf32> to vector<256x1xf32>
    %convert_element_type3A_623 = arith.fptosi %broadcast_in_dim3A_622 : vector<256x1xf32> to vector<256x1xi32>
    %swap3A_624 = arith.constant 3328 : index
    %swap3A_625 = arith.constant 0 : index
    %swap3A_626 = vector.load %arg2[%swap3A_624, %swap3A_625] : memref<4096x1xi32, #tpu.memory_space<vmem>>, vector<256x1xi32>
    tpu.vector_store %arg2[%swap3A_624, %swap3A_625], %convert_element_type3A_623 {strides = array<i32>} : memref<4096x1xi32, #tpu.memory_space<vmem>>, vector<256x1xi32>,
    %get3A_627 = arith.constant 3584 : index
    %get3A_628 = arith.constant 0 : index
    %get3A_629 = vector.load %arg1[%get3A_627, %get3A_628] : memref<4096x1xi32, #tpu.memory_space<vmem>>, vector<256x1xi32>
    %eq3A_630 = vector.broadcast %get3A_629 : vector<256x1xi32> to vector<256x128xi32>
    %eq3A_631 = arith.cmpi eq, %eq3A_630, %iota3A_2 : vector<256x128xi32>
    %convert_element_type3A_632 = arith.extui %eq3A_631 : vector<256x128xi1> to vector<256x128xi32>
    %convert_element_type3A_633 = arith.sitofp %convert_element_type3A_632 : vector<256x128xi32> to vector<256x128xf32>
    %get3A_634 = arith.constant 3584 : index
    %get3A_635 = arith.constant 0 : index
    %get3A_636 = vector.load %arg4[%get3A_634, %get3A_635] : memref<4096x128xf32, #tpu.memory_space<vmem>>, vector<256x128xf32>
    %sub3A_637 = arith.constant 1.000000e+00 : f32
    %sub3A_638 = vector.broadcast %sub3A_637 : f32 to vector<256x128xf32>
    %sub3A_639 = arith.subf %get3A_636, %sub3A_638 : vector<256x128xf32>
    %add3A_640 = vector.broadcast %sub3A : vector<1x128xf32> to vector<256x128xf32>
    %add3A_641 = arith.addf %sub3A_639, %add3A_640 : vector<256x128xf32>
    %mul3A_642 = arith.mulf %convert_element_type3A_633, %add3A_641 : vector<256x128xf32>
    %reduce_sum3A_643 = arith.constant dense<0.000000e+00> : vector<256xf32>
    %reduce_sum3A_644 = vector.multi_reduction <add>, %mul3A_642, %reduce_sum3A_643 [1] : vector<256x128xf32> to vector<256xf32>
    %broadcast_in_dim3A_645 = vector.shape_cast %reduce_sum3A_644 : vector<256xf32> to vector<256x1xf32>
    %convert_element_type3A_646 = arith.fptosi %broadcast_in_dim3A_645 : vector<256x1xf32> to vector<256x1xi32>
    %swap3A_647 = arith.constant 3584 : index
    %swap3A_648 = arith.constant 0 : index
    %swap3A_649 = vector.load %arg2[%swap3A_647, %swap3A_648] : memref<4096x1xi32, #tpu.memory_space<vmem>>, vector<256x1xi32>
    tpu.vector_store %arg2[%swap3A_647, %swap3A_648], %convert_element_type3A_646 {strides = array<i32>} : memref<4096x1xi32, #tpu.memory_space<vmem>>, vector<256x1xi32>,
    %get3A_650 = arith.constant 3840 : index
    %get3A_651 = arith.constant 0 : index
    %get3A_652 = vector.load %arg1[%get3A_650, %get3A_651] : memref<4096x1xi32, #tpu.memory_space<vmem>>, vector<256x1xi32>
    %eq3A_653 = vector.broadcast %get3A_652 : vector<256x1xi32> to vector<256x128xi32>
    %eq3A_654 = arith.cmpi eq, %eq3A_653, %iota3A_2 : vector<256x128xi32>
    %convert_element_type3A_655 = arith.extui %eq3A_654 : vector<256x128xi1> to vector<256x128xi32>
    %convert_element_type3A_656 = arith.sitofp %convert_element_type3A_655 : vector<256x128xi32> to vector<256x128xf32>
    %get3A_657 = arith.constant 3840 : index
    %get3A_658 = arith.constant 0 : index
    %get3A_659 = vector.load %arg4[%get3A_657, %get3A_658] : memref<4096x128xf32, #tpu.memory_space<vmem>>, vector<256x128xf32>
    %sub3A_660 = arith.constant 1.000000e+00 : f32
    %sub3A_661 = vector.broadcast %sub3A_660 : f32 to vector<256x128xf32>
    %sub3A_662 = arith.subf %get3A_659, %sub3A_661 : vector<256x128xf32>
    %add3A_663 = vector.broadcast %sub3A : vector<1x128xf32> to vector<256x128xf32>
    %add3A_664 = arith.addf %sub3A_662, %add3A_663 : vector<256x128xf32>
    %mul3A_665 = arith.mulf %convert_element_type3A_656, %add3A_664 : vector<256x128xf32>
    %reduce_sum3A_666 = arith.constant dense<0.000000e+00> : vector<256xf32>
    %reduce_sum3A_667 = vector.multi_reduction <add>, %mul3A_665, %reduce_sum3A_666 [1] : vector<256x128xf32> to vector<256xf32>
    %broadcast_in_dim3A_668 = vector.shape_cast %reduce_sum3A_667 : vector<256xf32> to vector<256x1xf32>
    %convert_element_type3A_669 = arith.fptosi %broadcast_in_dim3A_668 : vector<256x1xf32> to vector<256x1xi32>
    %swap3A_670 = arith.constant 3840 : index
    %swap3A_671 = arith.constant 0 : index
    %swap3A_672 = vector.load %arg2[%swap3A_670, %swap3A_671] : memref<4096x1xi32, #tpu.memory_space<vmem>>, vector<256x1xi32>
    tpu.vector_store %arg2[%swap3A_670, %swap3A_671], %convert_element_type3A_669 {strides = array<i32>} : memref<4096x1xi32, #tpu.memory_space<vmem>>, vector<256x1xi32>,
    return
  }
  func.func @transform_0(%arg0: i32) -> (i32, i32) {
    %c0_i32 = arith.constant 0 : i32
    %c0_i32_0 = arith.constant 0 : i32
    %c0_i32_1 = arith.constant 0 : i32
    return %c0_i32, %c0_i32_0 : i32, i32
  }
  func.func @transform_1(%arg0: i32) -> (i32, i32) {
    %c0_i32 = arith.constant 0 : i32
    %c0_i32_0 = arith.constant 0 : i32
    %c0_i32_1 = arith.constant 0 : i32
    return %c0_i32, %c0_i32_0 : i32, i32
  }
  func.func @transform_2(%arg0: i32) -> (i32, i32) {
    %c0_i32 = arith.constant 0 : i32
    %c0_i32_0 = arith.constant 0 : i32
    %c0_i32_1 = arith.constant 0 : i32
    return %c0_i32, %c0_i32_0 : i32, i32
  }
}

module attributes {stable_mosaic.version = 14 : i64} {
  func.func @_moe_body(%arg0: i32, %arg1: memref<24xi32, #tpu.memory_space<smem>>, %arg2: memref<256x1024xf32, #tpu.memory_space<vmem>>, %arg3: memref<1x1024x1024xf32, #tpu.memory_space<vmem>>, %arg4: memref<1x512x1024xf32, #tpu.memory_space<vmem>>, %arg5: memref<256x1024xf32, #tpu.memory_space<vmem>>) attributes {dimension_semantics = [#tpu.dimension_semantics<arbitrary>], iteration_bounds = array<i64: 24>, scalar_prefetch = 1 : i64, scratch_operands = 0 : i64, tpu.core_type = #tpu.core_type<tc>, window_params = [{transform_indices = @transform_0, window_bounds = array<i64: 256, 1024>}, {transform_indices = @transform_1, window_bounds = array<i64: 1, 1024, 1024>}, {transform_indices = @transform_2, window_bounds = array<i64: 1, 512, 1024>}, {transform_indices = @transform_3, window_bounds = array<i64: 256, 1024>}]} {
    %get3A = arith.constant 0 : index
    %get3A_0 = arith.constant 0 : index
    %get3A_1 = vector.load %arg2[%get3A, %get3A_0] : memref<256x1024xf32, #tpu.memory_space<vmem>>, vector<256x1024xf32>
    %convert_element_type3A = arith.truncf %get3A_1 : vector<256x1024xf32> to vector<256x1024xbf16>
    %get3A_2 = arith.constant 0 : index
    %get3A_3 = arith.constant 0 : index
    %get3A_4 = arith.constant 0 : index
    %get3A_5 = vector.load %arg3[%get3A_2, %get3A_3, %get3A_4] : memref<1x1024x1024xf32, #tpu.memory_space<vmem>>, vector<1x1024x1024xf32>
    %get3A_6 = vector.shape_cast %get3A_5 : vector<1x1024x1024xf32> to vector<1024x1024xf32>
    %convert_element_type3A_7 = arith.truncf %get3A_6 : vector<1024x1024xf32> to vector<1024x1024xbf16>
    %dot_general3A = arith.constant dense<0.000000e+00> : vector<256x1024xf32>
    %dot_general3A_8 = tpu.matmul %convert_element_type3A, %convert_element_type3A_7, %dot_general3A {dimension_numbers = #tpu.dot_dimension_numbers<[1], [0], [0], [1], [0, 0, 1, 1], [], []>, transpose_lhs_hint = false} : vector<256x1024xbf16>, vector<1024x1024xbf16>, vector<256x1024xf32> -> vector<256x1024xf32>
    %slice3A = vector.extract_strided_slice %dot_general3A_8 {offsets = [0, 0], sizes = [256, 512], strides = [1, 1]} : vector<256x1024xf32> to vector<256x512xf32>
    %slice3A_9 = vector.extract_strided_slice %dot_general3A_8 {offsets = [0, 512], sizes = [256, 512], strides = [1, 1]} : vector<256x1024xf32> to vector<256x512xf32>
    %neg3A = arith.constant 0.000000e+00 : f32
    %neg3A_10 = vector.broadcast %neg3A : f32 to vector<256x512xf32>
    %neg3A_11 = arith.subf %neg3A_10, %slice3A : vector<256x512xf32>
    %exp3A = math.exp %neg3A_11 : vector<256x512xf32>
    %add3A = arith.constant 1.000000e+00 : f32
    %add3A_12 = vector.broadcast %add3A : f32 to vector<256x512xf32>
    %add3A_13 = arith.addf %add3A_12, %exp3A : vector<256x512xf32>
    %div3A = arith.constant 1.000000e+00 : f32
    %div3A_14 = vector.broadcast %div3A : f32 to vector<256x512xf32>
    %div3A_15 = arith.divf %div3A_14, %add3A_13 : vector<256x512xf32>
    %mul3A = arith.mulf %slice3A, %div3A_15 : vector<256x512xf32>
    %mul3A_16 = arith.mulf %mul3A, %slice3A_9 : vector<256x512xf32>
    %convert_element_type3A_17 = arith.truncf %mul3A_16 : vector<256x512xf32> to vector<256x512xbf16>
    %get3A_18 = arith.constant 0 : index
    %get3A_19 = arith.constant 0 : index
    %get3A_20 = arith.constant 0 : index
    %get3A_21 = vector.load %arg4[%get3A_18, %get3A_19, %get3A_20] : memref<1x512x1024xf32, #tpu.memory_space<vmem>>, vector<1x512x1024xf32>
    %get3A_22 = vector.shape_cast %get3A_21 : vector<1x512x1024xf32> to vector<512x1024xf32>
    %convert_element_type3A_23 = arith.truncf %get3A_22 : vector<512x1024xf32> to vector<512x1024xbf16>
    %dot_general3A_24 = arith.constant dense<0.000000e+00> : vector<256x1024xf32>
    %dot_general3A_25 = tpu.matmul %convert_element_type3A_17, %convert_element_type3A_23, %dot_general3A_24 {dimension_numbers = #tpu.dot_dimension_numbers<[1], [0], [0], [1], [0, 0, 1, 1], [], []>, transpose_lhs_hint = false} : vector<256x512xbf16>, vector<512x1024xbf16>, vector<256x1024xf32> -> vector<256x1024xf32>
    %swap3A = arith.constant 0 : index
    %swap3A_26 = arith.constant 0 : index
    %swap3A_27 = vector.load %arg5[%swap3A, %swap3A_26] : memref<256x1024xf32, #tpu.memory_space<vmem>>, vector<256x1024xf32>
    tpu.vector_store %arg5[%swap3A, %swap3A_26], %dot_general3A_25 {strides = array<i32>} : memref<256x1024xf32, #tpu.memory_space<vmem>>, vector<256x1024xf32>,
    return
  }
  func.func @transform_0(%arg0: i32, %arg1: memref<24xi32, #tpu.memory_space<smem>>) -> (i32, i32) {
    %c0_i32 = arith.constant 0 : i32
    %c0_i32_0 = arith.constant 0 : i32
    return %arg0, %c0_i32 : i32, i32
  }
  func.func @transform_1(%arg0: i32, %arg1: memref<24xi32, #tpu.memory_space<smem>>) -> (i32, i32, i32) {
    %get3A = arith.index_cast %arg0 : i32 to index
    %get3A_0 = memref.load %arg1[%get3A] : memref<24xi32, #tpu.memory_space<smem>>
    %c0_i32 = arith.constant 0 : i32
    %c0_i32_1 = arith.constant 0 : i32
    %c0_i32_2 = arith.constant 0 : i32
    return %get3A_0, %c0_i32, %c0_i32_1 : i32, i32, i32
  }
  func.func @transform_2(%arg0: i32, %arg1: memref<24xi32, #tpu.memory_space<smem>>) -> (i32, i32, i32) {
    %get3A = arith.index_cast %arg0 : i32 to index
    %get3A_0 = memref.load %arg1[%get3A] : memref<24xi32, #tpu.memory_space<smem>>
    %c0_i32 = arith.constant 0 : i32
    %c0_i32_1 = arith.constant 0 : i32
    %c0_i32_2 = arith.constant 0 : i32
    return %get3A_0, %c0_i32, %c0_i32_1 : i32, i32, i32
  }
  func.func @transform_3(%arg0: i32, %arg1: memref<24xi32, #tpu.memory_space<smem>>) -> (i32, i32) {
    %c0_i32 = arith.constant 0 : i32
    %c0_i32_0 = arith.constant 0 : i32
    return %arg0, %c0_i32 : i32, i32
  }
}

</mosaic_0001>

<sc_bundles>
// kernel: kernel.8.cloned.1.call-start
scs
__scs_entry_jumppad:
0x0: {  	(pc) =	sbr.rel $0x88, $3  }
0x1: {  	(tag) =	ssettag $0x0;
	lr =	simm.s32 $0x1  }
0x2: {  	[smem:$0x3F96] =	sst lr;
	_ =	strace $0xD0000000  }
0x3: {  	_ = 	snop  }
0x4: {  	_ = 	snop  }
0x5: {  	_ = 	snop  }
0x6: {  	_ = 	snop  }
0x7: {  	_ = 	snop  }
__scs_overlays_trampoline_lowered:
0x8: {  	[smem:$0x3FA5] =	sst s0  }
0x9: {  	[smem:$0x3FA6] =	sst s1  }
0xa: {  	[smem:$0x3FA7] =	sst s2  }
0xb: {  	[smem:$0x3FA8] =	sst s3  }
0xc: {  	[smem:$0x3FA9] =	sst s4  }
0xd: {  	[smem:$0x3FAA] =	sst s5  }
0xe: {  	[smem:$0x3FAB] =	sst s6  }
0xf: {  	[smem:$0x3FAC] =	sst s7  }
0x10: {  	[smem:$0x3FAD] =	sst s8  }
0x11: {  	[smem:$0x3FAE] =	sst s9;
	s0 =	simm.s32 @!p0 $0x0  }
0x12: {  	s1 =	sld [smem:$0x3F94];
	s0 =	simm.s32 @p0 $0x1  }
0x13: {  	[smem:$0x3FAF] =	sst s0;
	s0 =	simm.s32 @!p1 $0x0  }
0x14: {  	s2 =	sld [smem:$0x3F93];
	s0 =	simm.s32 @p1 $0x1  }
0x15: {  	[smem:$0x3FB0] =	sst s0;
	s0 =	simm.s32 @!p2 $0x0  }
0x16: {  	s3 =	sld [smem:$0x3FDB];
	s0 =	simm.s32 @p2 $0x1  }
0x17: {  	s4 =	simm.s32 $0x1BF5;
	[smem:$0x3FB2] =	sst s0  }
0x18: {  	s0 =	sld [smem:$0x3F95];
	_ =	swait.ge [sflag:s4], $0x0  }
0x19: {  	s7 =	sld [smem:$0x3F96]  }
0x1a: {  	s8 =	sadd.s32 $0xFFFFE003, lr  }
0x1b: {  	s9 =	sadd.s32 $0xFFFFFEF7, lr;
	s5 =	simm.s32 $0xFFFFFFFF;
	p2 =	slt.u32 s8, $0xFFFFF086  }
0x1c: {  	p1 =	slt.u32 s9, $0xF7A;
	s5 =	simm.s32 @!p2 $0x0  }
0x1d: {  	s5 =	simm.s32 @p1 $0x1;
	p0 =	seq.s32 s7, s2  }
0x1e: {  	s7 =	smul.u32 @!p0 $0xF7A, s2;
	p2 =	seq.s32 @!p0 s5, $0x0  }
0x1f: {  	s9 =	smul.u32 $0xF7A, s1;
	s8 =	simm.s32 @!p0 $0x1BF5;
	p2 =	por !p2, p0  }
0x20: {  	[sflag:s8] =	ssyncset.s32 @!p0 $0xFFFFF086;
	s6 =	sadd.s32 @!p0 s3, s7;
	s7 =	simm.s32 @!p0 $0x108  }
0x21: {  	s3 =	sadd.s32 s3, s9;
	s6 =	sadd.s32 @!p0 $0x88, s6;
	s7 =	simm.s32 @p2 $0x1082  }
0x22: {  	[simem:s7], [sflag:s8] =	dma.local @!p0 [hbm:s6], $0xF7A  }
0x23: {  	s9 =	sor.u32 $0xD0000000, s2;
	s6 =	simm.s32 $0x108;
	_ =	swait.ge @!p0 [sflag:s8], $0x0  }
0x24: {  	s3 =	sadd.s32 $0x88, s3;
	s6 =	simm.s32 @!p1 $0x1082;
	[sflag:s4] =	ssyncset.s32 $0xFFFFF086  }
0x25: {  	[simem:s6], [sflag:s4] =	dma.local [hbm:s3], $0xF7A  }
0x26: {  	[smem:$0x3F96] =	sst s1;
	(tag) =	ssettag s2;
	_ =	strace s9  }
0x27: {  	s1 =	sld [smem:$0x3FA6]  }
0x28: {  	s2 =	sld [smem:$0x3FA7]  }
0x29: {  	s4 =	sld [smem:$0x3FA9]  }
0x2a: {  	p0 =	seq.s32 s5, $0x0;
	s5 =	sld [smem:$0x3FAA]  }
0x2b: {  	s6 =	sld [smem:$0x3FAB]  }
0x2c: {  	s7 =	sld [smem:$0x3FAC]  }
0x2d: {  	s3 =	simm.s32 $0x108;
	s8 =	sld [smem:$0x3FAD]  }
0x2e: {  	s3 =	simm.s32 @!p0 $0x1082;
	s9 =	sld [smem:$0x3FAE]  }
0x2f: {  	lr =	sadd.s32 s0, s3;
	s0 =	sld [smem:$0x3FA5]  }
0x30: {  	s3 =	sld [smem:$0x3FA8]  }
0x31: {  	[smem:$0x3FB1] =	sst s10  }
0x32: {  	s10 =	sld [smem:$0x3FAF];
	_ =	sdelay $0x3  }
0x33: {  	p0 =	seq.s32 s10, $0x1;
	s10 =	sld [smem:$0x3FB1];
	_ =	sdelay $0x3  }
0x34: {  	[smem:$0x3FB1] =	sst s10  }
0x35: {  	s10 =	sld [smem:$0x3FB0];
	_ =	sdelay $0x3  }
0x36: {  	p1 =	seq.s32 s10, $0x1;
	s10 =	sld [smem:$0x3FB1];
	_ =	sdelay $0x3  }
0x37: {  	[smem:$0x3FB1] =	sst s10  }
0x38: {  	s10 =	sld [smem:$0x3FB2]  }
0x39: {  	_ = 	snop;
	(pc) =	sbr.ind lr, $3  }
0x3a: {  	_ = 	snop  }
0x3b: {  	_ = 	snop  }
0x3c: {  	p2 =	seq.s32 s10, $0x1;
	s10 =	sld [smem:$0x3FB1]  }
0x3d: {  	_ =	shalt  }
0x3e: {  	_ =	shalt  }
0x3f: {  	_ =	shalt  }
0x40: {  	_ =	shalt  }
0x41: {  	_ =	shalt  }
0x42: {  	_ =	shalt  }
0x43: {  	_ =	shalt  }
0x44: {  	_ =	shalt  }
0x45: {  	_ =	shalt  }
0x46: {  	_ =	shalt  }
0x47: {  	_ =	shalt  }
0x48: {  	_ =	shalt  }
0x49: {  	_ =	shalt  }
0x4a: {  	_ =	shalt  }
0x4b: {  	_ =	shalt  }
0x4c: {  	_ =	shalt  }
0x4d: {  	_ =	shalt  }
0x4e: {  	_ =	shalt  }
0x4f: {  	_ =	shalt  }
0x50: {  	_ =	shalt  }
0x51: {  	_ =	shalt  }
0x52: {  	_ =	shalt  }
0x53: {  	_ =	shalt  }
0x54: {  	_ =	shalt  }
0x55: {  	_ =	shalt  }
0x56: {  	_ =	shalt  }
0x57: {  	_ =	shalt  }
0x58: {  	_ =	shalt  }
0x59: {  	_ =	shalt  }
0x5a: {  	_ =	shalt  }
0x5b: {  	_ =	shalt  }
0x5c: {  	_ =	shalt  }
0x5d: {  	_ =	shalt  }
0x5e: {  	_ =	shalt  }
0x5f: {  	_ =	shalt  }
0x60: {  	_ =	shalt  }
0x61: {  	_ =	shalt  }
0x62: {  	_ =	shalt  }
0x63: {  	_ =	shalt  }
0x64: {  	_ =	shalt  }
0x65: {  	_ =	shalt  }
0x66: {  	_ =	shalt  }
0x67: {  	_ =	shalt  }
0x68: {  	_ =	shalt  }
0x69: {  	_ =	shalt  }
0x6a: {  	_ =	shalt  }
0x6b: {  	_ =	shalt  }
0x6c: {  	_ =	shalt  }
0x6d: {  	_ =	shalt  }
0x6e: {  	_ =	shalt  }
0x6f: {  	_ =	shalt  }
0x70: {  	_ =	shalt  }
0x71: {  	_ =	shalt  }
0x72: {  	_ =	shalt  }
0x73: {  	_ =	shalt  }
0x74: {  	_ =	shalt  }
0x75: {  	_ =	shalt  }
0x76: {  	_ =	shalt  }
0x77: {  	_ =	shalt  }
0x78: {  	_ =	shalt  }
0x79: {  	_ =	shalt  }
0x7a: {  	_ =	shalt  }
0x7b: {  	_ =	shalt  }
0x7c: {  	_ =	shalt  }
0x7d: {  	_ =	shalt  }
0x7e: {  	_ =	shalt  }
0x7f: {  	_ =	shalt  }
0x80: {  	_ =	shalt  }
0x81: {  	_ =	shalt  }
0x82: {  	_ =	shalt  }
0x83: {  	_ =	shalt  }
0x84: {  	_ =	shalt  }
0x85: {  	_ =	shalt  }
0x86: {  	_ =	shalt  }
0x87: {  	_ =	shalt  }
.Lfunc_end0:
.L_simem_size_0:
called_computation_lowered:
.L_overlay_start_0:
0x88: {  	s2 =	sld [smem:$0x3FD9]  }
0x89: {  	s3 =	sld [smem:$0x3FFE];
	_ =	sdelay $0x1  }
0x8a: {  	s1 =	srdreg.scid  }
0x8b: {  	s0 =	sand.u32 $0x1, s1  }
0x8c: {  	s14 =	sshll.u32 s0, $0xA;
	s2 =	sadd.s32 s3, s2  }
0x8d: {  	s2 =	sadd.s32 s2, s14  }
0x8e: {  	[smem:$0x3FBD] =	sst s2  }
0x8f: {  	_ = 	snop  }
0x90: {  	s2 =	sld [smem:$0x3FD0];
	_ =	sdelay $0x2  }
0x91: {  	s15 =	simm.s32 $0xA;
	s4 =	simm.s32 $0x10  }
0x92: {  	[smem:s4], [sflag:s15] =	dma.local [hbm:s2], $0x1  }
0x93: {  	_ =	swait.eq [sflag:s15], $0x1  }
0x94: {  	[sflag:s15] =	ssyncset.done $0x0  }
0x95: {  	[sflag:s15] =	ssyncadd.s32 $0xFFFFFFFF  }
0x96: {  	s16 =	sld [smem:$0x10];
	(tm) =	ssettm $0x1  }
0x97: {  	s17 =	sld [smem:$0x3FFB];
	_ =	sdelay $0x3  }
0x98: {  	_ =	strace s17  }
0x99: {  	s3 =	sld [smem:$0x3FFC];
	_ =	sdelay $0x3  }
0x9a: {  	_ =	strace s3  }
0x9b: {  	s3 =	sld [smem:$0x3FFD];
	_ =	sdelay $0x3  }
0x9c: {  	_ =	strace s3  }
0x9d: {  	_ =	strace $0x8FFFFFFF  }
0x9e: {  	s18 =	sld [smem:$0x3FDB];
	_ =	sdelay $0x1  }
0x9f: {  	s19 =	simm.s32 $_scs_section_size  }
0xa0: {  	s5 =	simm.s32 $_size__tile_overlayer_lowered;
	s6 =	simm.s32 $_tile_overlayer_lowered  }
0xa1: {  	s22 =	simm.s32 $0x1BFF;
	s21 =	sshll.u32 s6, $0x1;
	s3 =	sadd.s32 s19, s18  }
0xa2: {  	s7 =	simm.s32 $0x0;
	s20 =	sshll.u32 s5, $0x1;
	s5 =	sadd.s32 s21, s3  }
0xa3: {  	[timem:s7], [sflag:s22] =	dma.local [hbm:s5], s20  }
0xa4: {  	_ =	swait.ge [sflag:s22], s20  }
0xa5: {  	s4 =	ssub.s32 $0x0, s20;
	[sflag:s22] =	ssyncset.done $0x0  }
0xa6: {  	[sflag:s22] =	ssyncadd.s32 s4;
	_ =	sdelay $0x1  }
0xa7: {  	s23 =	simm.s32 $0x1B8B  }
0xa8: {  	_ =	swait.ge [sflag:s23], $0x1  }
0xa9: {  	[sflag:s23] =	ssyncset.done $0x0  }
0xaa: {  	s25 =	simm.s32 $0x1B8E;
	s24 =	sld [smem:$0x3FFE];
	[sflag:s23] =	ssyncadd.s32 $0xFFFFFFFF  }
0xab: {  	s26 =	simm.s32 $execute0_lowered;
	[smem:$0x3FD2] =	sst s25  }
0xac: {  	s5 =	sshll.u32 s26, $0x1;
	_ =	strace $0x80000046;
	[dreg:$0x1] =	wrdreg $0xFFFFFFFF  }
0xad: {  	s28 =	simm.s32 $_size_execute0_lowered;
	s3 =	sadd.s32 s3, s5;
	[dreg:$0x0] =	wrdreg $0x0  }
0xae: {  	s5 =	sshll.u32 s28, $0x1;
	[dreg:$0x2] =	wrdreg s3  }
0xaf: {  	[dreg:$0x3] =	wrdreg s5  }
0xb0: {  	[dreg:$0x4] =	wrdreg $0xC0  }
0xb1: {  	_ =	task [dreg:s7], $0x5FFFF  }
0xb2: {  	[dreg:$0x1] =	wrdreg $0xFFFFFFFF  }
0xb3: {  	[dreg:$0x0] =	wrdreg $0x60  }
0xb4: {  	[dreg:$0x2] =	wrdreg s24  }
0xb5: {  	[dreg:$0x3] =	wrdreg s16  }
0xb6: {  	[dreg:$0x4] =	wrdreg $0x9  }
0xb7: {  	_ =	task.clear_ibuf [dreg:s7], $0x5FFFF;
	_ =	strace $0x90000046  }
0xb8: {  	s29 =	simm.s32 $0x9;
	_ =	strace $0x80000048  }
0xb9: {  	_ =	swait.ge [sflag:s29], $0x1  }
0xba: {  	[sflag:s29] =	ssyncadd.s32 $0xFFFFFFFF  }
0xbb: {  	_ =	strace $0x90000048  }
0xbc: {  	_ =	sfence  }
0xbd: {  	s30 =	sld [smem:$0x0];
	_ =	sdelay $0x2  }
0xbe: {  	s31 =	sshll.u32 s1, $0xD;
	s1 =	sshrl.u32 s1, $0x2  }
0xbf: {  	s3 =	sand.u32 $0x4000, s31;
	s1 =	sadd.s32 s1, s30  }
0xc0: {  	s0 =	sor.u32 s3, s0;
	s1 =	sshll.u32 s1, $0x11  }
0xc1: {  	s0 =	sor.u32 s1, s0  }
0xc2: {  	s0 =	sadd.s32 $0x8F2B, s0  }
0xc3: {  	[sflag:s0] =	ssyncadd.remote.s32 $0x1  }
0xc4: {  	_ =	sfence.sel $0xFFFF  }
0xc5: {  	[dreg:$0x0] =	wrdreg $0xFFFFFFFF;
	(pc) =	sbr.abs _section_cstart, $3  }
0xc6: {  	[dreg:$0x1] =	wrdreg $0xFFFFFFFF  }
0xc7: {  	_ =	task.clear_ibuf [dreg:s7], $0x2FFFF;
	_ =	strace $0x9FFFFFFF  }
0xc8: {  	(tm) =	ssettm $0x7FFFFFFF  }
0xc9: {  	_ =	shalt  }
tec
execute0_lowered:
.L_overlay_start_1:
0x0: {  	(tag) =	ssettag $0x1  }
0x1: {  	s6 =	rddreg [dreg:$0x0];
	s0 =	simm.s32 $0x0  }
0x2: {  	s25 =	srdreg.scid;
	s3 =	stileid.u32;
	s15 =	simm.s32 $0x2  }
0x3: {  	s19 =	simm.s32 $0x12100;
	s22 =	simm.s32 $0xD100;
	s23 =	simm.s32 $0xD900  }
0x4: {  	s24 =	simm.s32 $0xE100;
	s28 =	simm.s32 $0xF900;
	s29 =	simm.s32 $0x10100  }
0x5: {  	s30 =	simm.s32 $0x10900;
	s31 =	simm.s32 $0x11100;
	s14 =	simm.s32 $0x0  }
0x6: {  	[smem:$0x7FF] =	sst s0;
	s4 =	sadd.s32 $0x100400, s6;
	s5 =	sadd.s32 $0x40000, s6  }
0x7: {  	s7 =	sadd.s32 $0x40200, s6;
	s8 =	sadd.s32 $0x40400, s6;
	s0 =	sand.u32 $0x1, s25  }
0x8: {  	s9 =	sadd.s32 $0x48400, s6;
	s3 =	sshll.u32 s3, $0x7;
	s11 =	sadd.s32 $0x100500, s6  }
0x9: {  	s12 =	sadd.s32 $0x100600, s6;
	s13 =	sadd.s32 $0x100700, s6;
	s1 =	ssub.s32 $0x2, s0  }
0xa: {  	s25 =	simm.s32 $0xE900;
	s6 =	simm.s32 $0x1;
	s2 =	sshrl.u32 s1, $0x1  }
0xb: {  	v2 =	vlaneseq.u32;
	_ =	strace $0x80000047;
	s0 =	sshll.u32 s0, $0x6;
	s1 =	ssub.s32 s1, s2  }
0xc: {  	vm0 =	vmmov $0xffff;
	v1 =	vshrl.u32 v2, $0x3;
	s10 =	sor.u32 s0, s3;
	s0 =	simm.s32 $0x11900;
	s26 =	smax.u32 s1, $0x1  }
0xd: {  	v0 =	vand.u32 $0x7, v2;
	v2 =	vor.u32 $0x8, v2;
	v1 =	vmul.u32 $0x8, v1;
	s2 =	simm.s32 $0x0;
	[dreg:$0x3] =	wrdreg s26;
	s26 =	simm.s32 $0xF100  }
.LBB2_1:
0xe: {  	[dreg:$0x4] =	wrdreg s2;
	p0 =	por $0x1, $0x1;
	s1 =	simm.s32 $0x0  }
.LBB2_2:
0xf: {  	s1 =	sor.u32 s10, s1  }
0x10: {  	s2 =	sshrl.u32 s1, $0x3  }
0x11: {  	s3 =	sadd.s32 s5, s2  }
0x12: {  	[tilespmem:s14], [sflag:$0x2] =	stream.linear.gather [hbm4b:s3+s14], $0x20, $0x38;
	[tilespmem:$0x1A100] =	vst v63  }
0x13: {  	_ =	swait.ge [sflag:s15], $0x20  }
0x14: {  	[sflag:s15] =	ssyncset.done $0x0  }
0x15: {  	s17 =	simm.s32 $0x80;
	s2 =	sadd.s32 s7, s2;
	[sflag:s15] =	ssyncadd.s32 $0xFFFFFFE0  }
0x16: {  	[tilespmem:s17], [sflag:$0x2] =	stream.linear.gather [hbm4b:s2+s14], $0x20, $0x38;
	[tilespmem:$0x1A100] =	vst v63  }
0x17: {  	_ =	swait.ge [sflag:s15], $0x20  }
0x18: {  	s18 =	sshll.u32 s1, $0x4;
	[sflag:s15] =	ssyncset.done $0x0  }
0x19: {  	s16 =	simm.s32 $0x100;
	s20 =	sadd.s32 s8, s18;
	[sflag:s15] =	ssyncadd.s32 $0xFFFFFFE0  }
0x1a: {  	[tilespmem:s16], [sflag:$0x2] =	stream.linear.gather [hbm4b:s20+s14], $0x1000, $0x38;
	[tilespmem:$0x1A100] =	vst v63  }
0x1b: {  	_ =	swait.ge [sflag:s15], $0x1000  }
0x1c: {  	[sflag:s15] =	ssyncset.done $0x0  }
0x1d: {  	s21 =	simm.s32 $0x1100;
	s2 =	sadd.s32 s9, s18;
	[sflag:s15] =	ssyncadd.s32 $0xFFFFF000  }
0x1e: {  	[tilespmem:s21], [sflag:$0x2] =	stream.linear.gather [hbm4b:s2+s14], $0x1000, $0x38;
	[tilespmem:$0x1A100] =	vst v63  }
0x1f: {  	_ =	swait.ge [sflag:s15], $0x1000  }
0x20: {  	[sflag:s15] =	ssyncset.done $0x0  }
0x21: {  	[sflag:s15] =	ssyncadd.s32 $0xFFFFF000  }
0x22: {  	s2 =	sshll.u32 s1, $0x7;
	s16 =	rddreg [dreg:$0x0]  }
0x23: {  	s1 =	sadd.s32 s16, s2  }
0x24: {  	[tilespmem:s19], [sflag:$0x2] =	stream.linear.gather [hbm4b:s1+s14], $0x8000, $0x38;
	[tilespmem:$0x1A100] =	vst v63  }
0x25: {  	_ =	swait.ge [sflag:s15], $0x8000  }
0x26: {  	[sflag:s15] =	ssyncset.done $0x0  }
0x27: {  	[sflag:s15] =	ssyncadd.s32 $0xFFFF8000  }
0x28: {  	v3 =	vld [tilespmem:$0x0];
	_ =	sdelay $0x4  }
0x29: {  	v4 =	vshll.u32 v3, $0x3  }
0x2a: {  	v3 =	vand.u32 $0x7, v3;
	v4 =	vand.u32 $0xFFFFFFC0, v4  }
0x2b: {  	v3 =	vor.u32 v3, v4  }
0x2c: {  	v4 =	vperm.xlane v3, v0;
	_ =	sdelay $0x1  }
0x2d: {  	v4 =	vadd.s32 v1, v4;
	_ =	sdelay $0x3  }
0x2e: {  	s17 =	simm.s32 $0x2100  }
0x2f: {  	[tilespmem:s17], [sflag:$0x1] =	stream.indirect_vreg.gather [hbm4b:s4+s14], $0x80, v4, vm0, $0xb8;
	[tilespmem:$0x1A100] =	vst v63  }
0x30: {  	s18 =	simm.s32 $0x2900;
	v3 =	vperm.xlane v3, v2  }
0x31: {  	[tilespmem:s18], [sflag:$0x1] =	stream.indirect_vreg.gather [hbm4b:s11+s14], $0x80, v4, vm0, $0xb8;
	[tilespmem:$0x1A100] =	vst v63  }
0x32: {  	s20 =	simm.s32 $0x3100;
	v3 =	vadd.s32 v1, v3  }
0x33: {  	[tilespmem:s20], [sflag:$0x1] =	stream.indirect_vreg.gather [hbm4b:s12+s14], $0x80, v4, vm0, $0xb8;
	[tilespmem:$0x1A100] =	vst v63  }
0x34: {  	s21 =	simm.s32 $0x3900  }
0x35: {  	[tilespmem:s21], [sflag:$0x1] =	stream.indirect_vreg.gather [hbm4b:s13+s14], $0x80, v4, vm0, $0xb8;
	[tilespmem:$0x1A100] =	vst v63  }
0x36: {  	s3 =	simm.s32 $0x4100  }
0x37: {  	[tilespmem:s3], [sflag:$0x1] =	stream.indirect_vreg.gather [hbm4b:s4+s14], $0x80, v3, vm0, $0xb8;
	[tilespmem:$0x1A100] =	vst v63  }
0x38: {  	s16 =	simm.s32 $0x4900  }
0x39: {  	[tilespmem:s16], [sflag:$0x1] =	stream.indirect_vreg.gather [hbm4b:s11+s14], $0x80, v3, vm0, $0xb8;
	[tilespmem:$0x1A100] =	vst v63  }
0x3a: {  	s17 =	simm.s32 $0x5100  }
0x3b: {  	[tilespmem:s17], [sflag:$0x1] =	stream.indirect_vreg.gather [hbm4b:s12+s14], $0x80, v3, vm0, $0xb8;
	[tilespmem:$0x1A100] =	vst v63  }
0x3c: {  	s18 =	simm.s32 $0x5900  }
0x3d: {  	[tilespmem:s18], [sflag:$0x1] =	stream.indirect_vreg.gather [hbm4b:s13+s14], $0x80, v3, vm0, $0xb8;
	[tilespmem:$0x1A100] =	vst v63  }
0x3e: {  	v3 =	vld [tilespmem:$0x10];
	_ =	sdelay $0x4  }
0x3f: {  	v61 =	vshll.u32 v3, $0x3  }
0x40: {  	v3 =	vand.u32 $0x7, v3;
	v4 =	vand.u32 $0xFFFFFFC0, v61  }
0x41: {  	v3 =	vor.u32 v3, v4  }
0x42: {  	v4 =	vperm.xlane v3, v0;
	_ =	sdelay $0x1  }
0x43: {  	v4 =	vadd.s32 v1, v4;
	_ =	sdelay $0x3  }
0x44: {  	s20 =	simm.s32 $0x6100  }
0x45: {  	[tilespmem:s20], [sflag:$0x1] =	stream.indirect_vreg.gather [hbm4b:s4+s14], $0x80, v4, vm0, $0xb8;
	[tilespmem:$0x1A100] =	vst v63  }
0x46: {  	s21 =	simm.s32 $0x6900;
	v3 =	vperm.xlane v3, v2  }
0x47: {  	[tilespmem:s21], [sflag:$0x1] =	stream.indirect_vreg.gather [hbm4b:s11+s14], $0x80, v4, vm0, $0xb8;
	[tilespmem:$0x1A100] =	vst v63  }
0x48: {  	s3 =	simm.s32 $0x7100;
	v3 =	vadd.s32 v1, v3  }
0x49: {  	[tilespmem:s3], [sflag:$0x1] =	stream.indirect_vreg.gather [hbm4b:s12+s14], $0x80, v4, vm0, $0xb8;
	[tilespmem:$0x1A100] =	vst v63  }
0x4a: {  	s16 =	simm.s32 $0x7900  }
0x4b: {  	[tilespmem:s16], [sflag:$0x1] =	stream.indirect_vreg.gather [hbm4b:s13+s14], $0x80, v4, vm0, $0xb8;
	[tilespmem:$0x1A100] =	vst v63  }
0x4c: {  	s17 =	simm.s32 $0x8100  }
0x4d: {  	[tilespmem:s17], [sflag:$0x1] =	stream.indirect_vreg.gather [hbm4b:s4+s14], $0x80, v3, vm0, $0xb8;
	[tilespmem:$0x1A100] =	vst v63  }
0x4e: {  	s18 =	simm.s32 $0x8900  }
0x4f: {  	[tilespmem:s18], [sflag:$0x1] =	stream.indirect_vreg.gather [hbm4b:s11+s14], $0x80, v3, vm0, $0xb8;
	[tilespmem:$0x1A100] =	vst v63  }
0x50: {  	s20 =	simm.s32 $0x9100  }
0x51: {  	[tilespmem:s20], [sflag:$0x1] =	stream.indirect_vreg.gather [hbm4b:s12+s14], $0x80, v3, vm0, $0xb8;
	[tilespmem:$0x1A100] =	vst v63  }
0x52: {  	s21 =	simm.s32 $0x9900  }
0x53: {  	[tilespmem:s21], [sflag:$0x1] =	stream.indirect_vreg.gather [hbm4b:s13+s14], $0x80, v3, vm0, $0xb8;
	[tilespmem:$0x1A100] =	vst v63  }
0x54: {  	v3 =	vld [tilespmem:$0x80];
	_ =	sdelay $0x4  }
0x55: {  	v62 =	vshll.u32 v3, $0x3  }
0x56: {  	v3 =	vand.u32 $0x7, v3;
	v4 =	vand.u32 $0xFFFFFFC0, v62  }
0x57: {  	v3 =	vor.u32 v3, v4  }
0x58: {  	v4 =	vperm.xlane v3, v0;
	_ =	sdelay $0x1  }
0x59: {  	v4 =	vadd.s32 v1, v4;
	_ =	sdelay $0x3  }
0x5a: {  	s3 =	simm.s32 $0xA100  }
0x5b: {  	[tilespmem:s3], [sflag:$0x1] =	stream.indirect_vreg.gather [hbm4b:s4+s14], $0x80, v4, vm0, $0xb8;
	[tilespmem:$0x1A100] =	vst v63  }
0x5c: {  	s16 =	simm.s32 $0xA900;
	v3 =	vperm.xlane v3, v2  }
0x5d: {  	[tilespmem:s16], [sflag:$0x1] =	stream.indirect_vreg.gather [hbm4b:s11+s14], $0x80, v4, vm0, $0xb8;
	[tilespmem:$0x1A100] =	vst v63  }
0x5e: {  	s17 =	simm.s32 $0xB100;
	v3 =	vadd.s32 v1, v3  }
0x5f: {  	[tilespmem:s17], [sflag:$0x1] =	stream.indirect_vreg.gather [hbm4b:s12+s14], $0x80, v4, vm0, $0xb8;
	[tilespmem:$0x1A100] =	vst v63  }
0x60: {  	s18 =	simm.s32 $0xB900  }
0x61: {  	[tilespmem:s18], [sflag:$0x1] =	stream.indirect_vreg.gather [hbm4b:s13+s14], $0x80, v4, vm0, $0xb8;
	[tilespmem:$0x1A100] =	vst v63  }
0x62: {  	s20 =	simm.s32 $0xC100  }
0x63: {  	[tilespmem:s20], [sflag:$0x1] =	stream.indirect_vreg.gather [hbm4b:s4+s14], $0x80, v3, vm0, $0xb8;
	[tilespmem:$0x1A100] =	vst v63  }
0x64: {  	s21 =	simm.s32 $0xC900  }
0x65: {  	[tilespmem:s21], [sflag:$0x1] =	stream.indirect_vreg.gather [hbm4b:s11+s14], $0x80, v3, vm0, $0xb8;
	[tilespmem:$0x1A100] =	vst v63  }
0x66: {  	_ = 	snop  }
0x67: {  	[tilespmem:s22], [sflag:$0x1] =	stream.indirect_vreg.gather [hbm4b:s12+s14], $0x80, v3, vm0, $0xb8;
	[tilespmem:$0x1A100] =	vst v63  }
0x68: {  	_ = 	snop  }
0x69: {  	[tilespmem:s23], [sflag:$0x1] =	stream.indirect_vreg.gather [hbm4b:s13+s14], $0x80, v3, vm0, $0xb8;
	[tilespmem:$0x1A100] =	vst v63  }
0x6a: {  	v3 =	vld [tilespmem:$0x90];
	_ =	sdelay $0x4  }
0x6b: {  	v63 =	vshll.u32 v3, $0x3  }
0x6c: {  	v3 =	vand.u32 $0x7, v3;
	v4 =	vand.u32 $0xFFFFFFC0, v63  }
0x6d: {  	v3 =	vor.u32 v3, v4  }
0x6e: {  	v4 =	vperm.xlane v3, v0;
	_ =	sdelay $0x1  }
0x6f: {  	v4 =	vadd.s32 v1, v4;
	_ =	sdelay $0x4  }
0x70: {  	[tilespmem:s24], [sflag:$0x1] =	stream.indirect_vreg.gather [hbm4b:s4+s14], $0x80, v4, vm0, $0xb8;
	[tilespmem:$0x1A100] =	vst v63  }
0x71: {  	v3 =	vperm.xlane v3, v2  }
0x72: {  	[tilespmem:s25], [sflag:$0x1] =	stream.indirect_vreg.gather [hbm4b:s11+s14], $0x80, v4, vm0, $0xb8;
	[tilespmem:$0x1A100] =	vst v63  }
0x73: {  	v3 =	vadd.s32 v1, v3  }
0x74: {  	[tilespmem:s26], [sflag:$0x1] =	stream.indirect_vreg.gather [hbm4b:s12+s14], $0x80, v4, vm0, $0xb8;
	[tilespmem:$0x1A100] =	vst v63  }
0x75: {  	_ = 	snop  }
0x76: {  	[tilespmem:s28], [sflag:$0x1] =	stream.indirect_vreg.gather [hbm4b:s13+s14], $0x80, v4, vm0, $0xb8;
	[tilespmem:$0x1A100] =	vst v63  }
0x77: {  	_ = 	snop  }
0x78: {  	[tilespmem:s29], [sflag:$0x1] =	stream.indirect_vreg.gather [hbm4b:s4+s14], $0x80, v3, vm0, $0xb8;
	[tilespmem:$0x1A100] =	vst v63  }
0x79: {  	_ = 	snop  }
0x7a: {  	[tilespmem:s30], [sflag:$0x1] =	stream.indirect_vreg.gather [hbm4b:s11+s14], $0x80, v3, vm0, $0xb8;
	[tilespmem:$0x1A100] =	vst v63  }
0x7b: {  	_ = 	snop  }
0x7c: {  	[tilespmem:s31], [sflag:$0x1] =	stream.indirect_vreg.gather [hbm4b:s12+s14], $0x80, v3, vm0, $0xb8;
	[tilespmem:$0x1A100] =	vst v63  }
0x7d: {  	_ = 	snop  }
0x7e: {  	[tilespmem:s0], [sflag:$0x1] =	stream.indirect_vreg.gather [hbm4b:s13+s14], $0x80, v3, vm0, $0xb8;
	[tilespmem:$0x1A100] =	vst v63  }
0x7f: {  	_ =	swait.ge [sflag:s6], $0x8000  }
0x80: {  	[sflag:s6] =	ssyncset.done $0x0  }
0x81: {  	[sflag:s6] =	ssyncadd.s32 $0xFFFF8000  }
0x82: {  	_ =	swait.ge [sflag:s6], $0x8000  }
0x83: {  	[sflag:s6] =	ssyncset.done $0x0  }
0x84: {  	p1 =	por p0, p0;
	s1 =	simm.s32 $0x0;
	[sflag:s6] =	ssyncadd.s32 $0xFFFF8000  }
.LBB2_3:
0x85: {  	s16 =	sshll.u32 s1, $0x7;
	s3 =	sshll.u32 s1, $0xA  }
0x86: {  	s3 =	sand.u32 $0x6000, s3;
	s17 =	sand.u32 $0x380, s16  }
0x87: {  	s21 =	sand.u32 $0x1C00, s14;
	s3 =	sor.u32 s3, s17  }
0x88: {  	s18 =	sand.u32 $0x70, s14;
	v3 =	vld [tilespmem:s16+$0x100];
	s17 =	sor.u32 s21, s3  }
0x89: {  	v4 =	vld [tilespmem:s16+$0x1100];
	s16 =	sor.u32 s18, s17  }
0x8a: {  	v5 =	vld [tilespmem:s16+$0x2100]  }
0x8b: {  	v6 =	vld [tilespmem:s16+$0xA100]  }
0x8c: {  	v7 =	vld [tilespmem:s16+$0x12100];
	_ =	sdelay $0x2  }
0x8d: {  	v5 =	vmul.f32 v5, v3  }
0x8e: {  	s17 =	simm.s32 $0x80  }
0x8f: {  	s20 =	simm.s32 $0x10;
	s18 =	simm.s32 $0x20;
	s21 =	sand.u32 $0x1C00, s17;
	v6 =	vmul.f32 v6, v4;
	v5 =	vadd.f32 v5, v7  }
.LBB2_4:
0x90: {  	p0 =	sne.s32 s18, $0x3F0;
	s20 =	sand.u32 $0x70, s20;
	s21 =	sor.u32 s21, s3  }
0x91: {  	s21 =	sor.u32 s20, s21;
	v5 =	vadd.f32 v6, v5;
	s20 =	smov.u32 s18  }
0x92: {  	v6 =	vld [tilespmem:s21+$0x2100]  }
0x93: {  	v7 =	vld [tilespmem:s21+$0xA100];
	[tilespmem:s16+$0x12100] =	vst v5;
	s16 =	smov.u32 s21  }
0x94: {  	v5 =	vld [tilespmem:s16+$0x12100]  }
.Ltmp0:
0x95: {  	(pc) =	sbr.rel @p0 .LBB2_4-.Ltmp0, $4  }
0x96: {  	_ = 	snop  }
0x97: {  	v6 =	vmul.f32 v6, v3  }
0x98: {  	s17 =	sadd.s32 $0x80, s17  }
0x99: {  	s18 =	sadd.s32 $0x10, s18;
	s21 =	sand.u32 $0x1C00, s17;
	v5 =	vadd.f32 v6, v5;
	v6 =	vmul.f32 v7, v4  }
0x9a: {  	s17 =	sand.u32 $0x70, s20;
	s3 =	sor.u32 s21, s3  }
0x9b: {  	s3 =	sor.u32 s17, s3;
	v5 =	vadd.f32 v6, v5  }
0x9c: {  	v63 =	vld [tilespmem:s3+$0x2100]  }
0x9d: {  	v7 =	vld [tilespmem:s3+$0xA100];
	[tilespmem:s16+$0x12100] =	vst v5  }
0x9e: {  	v5 =	vld [tilespmem:s3+$0x12100];
	_ =	sdelay $0x2  }
0x9f: {  	s1 =	sadd.s32 $0x1, s1;
	v3 =	vmul.f32 v63, v3  }
0xa0: {  	p0 =	sne.s32 s1, $0x20  }
.Ltmp1:
0xa1: {  	v4 =	vmul.f32 v7, v4;
	v3 =	vadd.f32 v3, v5;
	(pc) =	sbr.rel @p0 .LBB2_3-.Ltmp1, $3  }
0xa2: {  	_ = 	snop  }
0xa3: {  	v3 =	vadd.f32 v4, v3;
	_ =	sdelay $0x1  }
0xa4: {  	[tilespmem:s3+$0x12100] =	vst v3  }
0xa5: {  	s1 =	rddreg [dreg:$0x1]  }
.Ltmp2:
0xa6: {  	s21 =	simm.s32 $0x0;
	s1 =	sadd.s32 s1, s2;
	(pc) =	sbr.rel @p1 .LBB2_2-.Ltmp2, $4  }
0xa7: {  	[hbm4b:s1+s21] =	stream.linear.scatter [tilespmem:s19], [sflag:$0x2], $0x8000, $0x38;
	[tilespmem:$0x1A100] =	vst v63  }
0xa8: {  	_ =	swait.ge [sflag:s15], $0x8000  }
0xa9: {  	[sflag:s15] =	ssyncset.done $0x0  }
0xaa: {  	p0 =	por $0x0, $0x0;
	s1 =	simm.s32 $0x20;
	[sflag:s15] =	ssyncadd.s32 $0xFFFF8000  }
0xab: {  	s2 =	rddreg [dreg:$0x4]  }
0xac: {  	s1 =	rddreg [dreg:$0x3];
	s2 =	sadd.s32 $0x1, s2  }
0xad: {  	p0 =	sne.s32 s2, s1  }
.Ltmp3:
0xae: {  	_ = 	snop;
	(pc) =	sbr.rel @p0 .LBB2_1-.Ltmp3, $1  }
0xaf: {  	_ =	sdelay $0x3  }
0xb0: {  	_ =	sfence.sel $0x180000  }
0xb1: {  	[bflag:$0x0] =	sbarrier.arrive $0xFFFF  }
0xb2: {  	_ =	strace $0x90000047  }
0xb3: {  	s0 =	stileid.u32;
	[bflag:$0x2] =	sbarrier.arrive $0xFFFF  }
0xb4: {  	p0 =	sne.s32 s0, $0x0;
	s0 =	rddreg [dreg:$0x2]  }
0xb5: {  	s0 =	sadd.s32 @!p0 $0x100000, s0  }
0xb6: {  	[sflag:s0] =	ssyncadd.tile.s32 @!p0 $0x1;
	_ =	shalt  }
.Lfunc_end2:
_tile_overlayer_lowered:
.L_overlay_start_2:
0xb7: {  	(tag) =	ssettag $0x2  }
0xb8: {  	s0 =	rddreg [dreg:$0x0];
	s2 =	stileid.u32  }
0xb9: {  	s1 =	rddreg [dreg:$0x1];
	p0 =	sne.s32 s2, $0x0  }
0xba: {  	s3 =	rddreg [dreg:$0x2];
	[bflag:$0x3] =	sbarrier.arrive $0xFFFF;
	s2 =	simm.s32 @!p0 $0x1C02  }
0xbb: {  	[timem:s3], [sflag:s2] =	dma.local @!p0 [hbm:s0], s1  }
0xbc: {  	s0 =	simm.s32 @!p0 $0x2  }
0xbd: {  	_ =	swait.ge @!p0 [sflag:s0], s1  }
0xbe: {  	s1 =	ssub.s32 @!p0 $0x0, s1;
	[sflag:s0] =	ssyncset.done @!p0 $0x0  }
0xbf: {  	[sflag:s0] =	ssyncadd.s32 @!p0 s1  }
0xc0: {  	[bflag:$0x3] =	sbarrier.arrive $0xFFFF  }
0xc1: {  	_ =	shalt  }

</sc_bundles>
